<compile_context>
chip_gen: v7x
topology: tpu7x:2x2x1
jax: 0.10.2.dev20260603
libtpu: 0.0.44.dev20260713+nightly
codegen_flags: <defaults>
</compile_context>

<pallas_src>
import functools

import jax
import jax.numpy as jnp
from jax import lax
from jax.experimental import pallas as pl
from jax.experimental.pallas import tpu as pltpu
from jax.experimental.pallas import tpu_sc as plsc

Q = 1024
D = 64
K = 100000
TOPK = 3
THRESHOLD = 0.0

BK = 5000
NB = K // BK
KH = K // 2
BIGF = 2.0 ** 24

B = Q * TOPK
SC_CORES = 2
SC_SUBCORES = 16
NW = SC_CORES * SC_SUBCORES
BPW = B // NW


def _normalize(x):
    return x * (1.0 / (jnp.sqrt(jnp.sum(x * x, axis=1, keepdims=True))
                       + 1e-12))


def _row_topk_kernel(q_ref, k_ref, idx_ref, val_scr, idxf_scr,
                     qn_scr, w_scr):
    step = pl.program_id(0)

    @pl.when(step == 0)
    def _init():
        val_scr[...] = jnp.full((8, Q), -jnp.inf, jnp.float32)
        idxf_scr[...] = jnp.full((8, Q), BIGF, jnp.float32)
        qn_scr[...] = _normalize(q_ref[...])
        li = lax.broadcasted_iota(jnp.int32, (8, BK), 1)
        row = lax.broadcasted_iota(jnp.int32, (8, BK), 0)
        sq = li * li
        wparts = [li >> 6, li & 63, jnp.ones((8, BK), jnp.int32),
                  (sq >> 16) & 255, (sq >> 8) & 255, sq & 255]
        wv = jnp.zeros((8, BK), jnp.float32)
        for j, p in enumerate(wparts):
            wv = jnp.where(row == j, p.astype(jnp.float32), wv)
        w_scr[...] = wv.astype(jnp.bfloat16)

    qn = qn_scr[...]
    kn = _normalize(k_ref[...])
    st = lax.dot_general(kn, qn, (((1,), (1,)), ((), ())),
                         preferred_element_type=jnp.float32)
    w = w_scr[...]

    cand_v, cand_i = [], []
    for r in range(TOPK):
        m = jnp.max(st, axis=0, keepdims=True)
        match = st == m
        matchf = jnp.where(match, 1.0, 0.0)
        ext = lax.dot_general(w, matchf.astype(jnp.bfloat16),
                              (((1,), (0,)), ((), ())),
                              preferred_element_type=jnp.float32)
        c = ext[2:3, :]
        s0i = (ext[0:1, :].astype(jnp.int32) * 64
               + ext[1:2, :].astype(jnp.int32))
        s2i = ((ext[3:4, :].astype(jnp.int32) << 16)
               + (ext[4:5, :].astype(jnp.int32) << 8)
               + ext[5:6, :].astype(jnp.int32))
        ddi = jnp.maximum(2 * s2i - s0i * s0i, 0)
        d = jnp.sqrt(ddi.astype(jnp.float32))
        s0 = s0i.astype(jnp.float32)
        dup = c > 1.5
        lo = jnp.where(dup, 0.5 * (s0 - d), s0)
        hi = 0.5 * (s0 + d)
        cand_v.append(m)
        cand_i.append(lo)
        cand_v.append(jnp.where(dup, m, -jnp.inf))
        cand_i.append(hi)
        if r < TOPK - 1:
            st = jnp.where(match, -jnp.inf, st)

    off = (step * BK).astype(jnp.float32)
    locv = jnp.concatenate(cand_v, axis=0)
    loci = jnp.concatenate(cand_i, axis=0) + off

    v9 = jnp.concatenate([val_scr[0:TOPK, :], locv], axis=0)
    i9 = jnp.concatenate([idxf_scr[0:TOPK, :], loci], axis=0)
    new_v, new_i = [], []
    for r in range(TOPK):
        m = jnp.max(v9, axis=0, keepdims=True)
        i = jnp.min(jnp.where(v9 == m, i9, BIGF), axis=0, keepdims=True)
        new_v.append(m)
        new_i.append(i)
        if r < TOPK - 1:
            v9 = jnp.where(i9 == i, -jnp.inf, v9)
    val_scr[0:TOPK, :] = jnp.concatenate(new_v, axis=0)
    merged_i = jnp.concatenate(new_i, axis=0)
    idxf_scr[0:TOPK, :] = merged_i

    @pl.when(step == NB - 1)
    def _emit():
        idx_ref[0:TOPK, :] = merged_i.astype(jnp.int32)
        idx_ref[TOPK:8, :] = jnp.zeros((8 - TOPK, Q), jnp.int32)


def _row_topk(queries, keys):
    return pl.pallas_call(
        _row_topk_kernel,
        grid=(NB,),
        in_specs=[
            pl.BlockSpec((Q, D), lambda k: (0, 0)),
            pl.BlockSpec((BK, D), lambda k: (k, 0)),
        ],
        out_specs=pl.BlockSpec((8, Q), lambda k: (0, 0)),
        out_shape=jax.ShapeDtypeStruct((8, Q), jnp.int32),
        scratch_shapes=[
            pltpu.VMEM((8, Q), jnp.float32),
            pltpu.VMEM((8, Q), jnp.float32),
            pltpu.VMEM((Q, D), jnp.float32),
            pltpu.VMEM((8, BK), jnp.bfloat16),
        ],
        compiler_params=pltpu.CompilerParams(
            dimension_semantics=("arbitrary",),
            vmem_limit_bytes=110 * 1024 * 1024),
    )(queries, keys)


D2 = 2 * D


@functools.lru_cache(maxsize=None)
def _build_gather_rows():
    mesh = plsc.VectorSubcoreMesh(core_axis_name="c", subcore_axis_name="s")

    @functools.partial(
        pl.kernel,
        mesh=mesh,
        out_type=jax.ShapeDtypeStruct((B, D2), jnp.float32),
        scratch_types=[
            pltpu.VMEM((BPW,), jnp.int32),
            pltpu.VMEM((BPW,), jnp.int32),
            pltpu.VMEM((BPW, D2), jnp.float32),
            pltpu.SemaphoreType.DMA,
        ],
    )
    def _gather_rows(keys2_hbm, idx_hbm, out_hbm, idx_v, idx2_v, rows_v, sem):
        wid = lax.axis_index("s") * SC_CORES + lax.axis_index("c")
        base = wid * BPW
        pltpu.sync_copy(idx_hbm.at[pl.ds(base, BPW)], idx_v)
        for c in range(BPW // 16):
            sl = pl.ds(c * 16, 16)
            idx2_v[sl] = lax.shift_right_logical(idx_v[sl], 1)
        pltpu.async_copy(keys2_hbm.at[idx2_v], rows_v, sem).wait()
        pltpu.sync_copy(rows_v, out_hbm.at[pl.ds(base, BPW)])

    return _gather_rows


def _mutual_kernel(q_ref, sk_ref, idx_ref, out_ref):
    qn = _normalize(q_ref[...])
    sk = sk_ref[...]
    even = _normalize(sk[:, :D])
    odd = _normalize(sk[:, D:])
    skn = jnp.concatenate([even, odd], axis=1)
    hi_half = (idx_ref[...] & 1) == 1
    lane = lax.broadcasted_iota(jnp.int32, (B, D2), 1)
    skn = jnp.where((lane >= D) == hi_half, skn, 0.0)
    qn2 = jnp.concatenate([qn, qn], axis=1)
    s = lax.dot_general(qn2, skn, (((1,), (1,)), ((), ())),
                        preferred_element_type=jnp.float32)
    ridx = lax.broadcasted_iota(jnp.int32, (Q, B), 0)
    cidx = lax.broadcasted_iota(jnp.int32, (Q, B), 1)
    owner = lax.rem(cidx, Q)
    v = jnp.max(jnp.where(ridx == owner, s, -jnp.inf), axis=0, keepdims=True)
    lt_owner = ridx < owner
    precede = (s > v) | ((s == v) & lt_owner)
    cnt = jnp.sum(jnp.where(precede, 1.0, 0.0), axis=0, keepdims=True)
    keep = (cnt < float(TOPK)) & (v > THRESHOLD)
    out_ref[...] = jnp.broadcast_to(jnp.where(keep, v, 0.0), (8, B))


def _mutual(queries, sel_keys, idx_col):
    return pl.pallas_call(
        _mutual_kernel,
        in_specs=[
            pl.BlockSpec((Q, D), lambda: (0, 0)),
            pl.BlockSpec((B, D2), lambda: (0, 0)),
            pl.BlockSpec((B, 1), lambda: (0, 0)),
        ],
        out_specs=pl.BlockSpec((8, B), lambda: (0, 0)),
        out_shape=jax.ShapeDtypeStruct((8, B), jnp.float32),
    )(queries, sel_keys, idx_col)


def kernel(queries, keys):
    row_idx = _row_topk(queries, keys)
    keys2 = keys.reshape(KH, D2)
    idx_flat = row_idx[:TOPK].reshape(B)
    sel = _build_gather_rows()(keys2, idx_flat)
    out = _mutual(queries, sel, idx_flat.reshape(B, 1))
    return out[0].reshape(TOPK, Q).T

# --- scband reference (transcript-rebuilt; emitter-appended) ---
"""Pipeline reference for scband-matr2-d3-d-45354854645983 (READ-ONLY COPY).

The authoritative reference and input builder live on the scoring server;
editing this copy changes nothing except your own understanding.
"""

import jax, jax.numpy as jnp
import numpy as np

TOPK = 3
THRESHOLD = 0.0


def setup_inputs(seed: int = 0) -> dict:
    key = jax.random.key(seed)
    k1, k2 = jax.random.split(key)
    queries = jax.random.normal(k1, (1024, 64), dtype=jnp.float32)
    keys = jax.random.normal(k2, (100000, 64), dtype=jnp.float32)
    return {"queries": queries, "keys": keys}


def reference(queries, keys):
    # L2-normalize features (F.normalize(p=2, dim=1) in the torch module)
    qn = queries / (jnp.linalg.norm(queries, axis=1, keepdims=True) + 1e-12)
    kn = keys / (jnp.linalg.norm(keys, axis=1, keepdims=True) + 1e-12)
    # dense similarity matrix between image superpoint feats and pcd superpoint feats
    sim = qn @ kn.T  # [Q, K]
    # row-wise top-k (image -> pcd nearest neighbors)
    row_vals, row_idx = jax.lax.top_k(sim, TOPK)  # [Q, TOPK]
    # column-wise top-k (pcd -> image nearest neighbors)
    col_vals, col_idx = jax.lax.top_k(sim.T, TOPK)  # [K, TOPK]
    # mutual-topk check: (i, j) is a correspondence iff i is among the top-k
    # queries of its selected key, mirroring SuperPointMatchingMutualTopk
    cand = jnp.take(col_idx, row_idx, axis=0)  # [Q, TOPK, TOPK]
    qi = jnp.arange(queries.shape[0])[:, None, None]
    mutual = jnp.any(cand == qi, axis=-1)  # [Q, TOPK]
    mask = jnp.logical_and(mutual, row_vals > THRESHOLD)
    out = row_vals * mask.astype(row_vals.dtype)  # masked correspondence scores
    return out

if __name__ == "__main__":
    import jax
    _d = setup_inputs()
    print(jax.jit(kernel)(*tuple(_d.values())))

</pallas_src>

<mosaic_0001>
#map = affine_map<(d0, d1) -> (0, 0)>
#map1 = affine_map<(d0, d1) -> (0)>
module attributes {stable_mosaic.version = 14 : i64} {
  func.func @_gather_rows(%arg0: i32, %arg1: i32, %arg2: memref<50000x128xf32, #tpu.memory_space<hbm>>, %arg3: memref<3072xi32, #tpu.memory_space<hbm>>, %arg4: memref<3072x128xf32, #tpu.memory_space<hbm>>, %arg5: memref<96xi32, #tpu.memory_space<vmem>>, %arg6: memref<96xi32, #tpu.memory_space<vmem>>, %arg7: memref<96x128xf32, #tpu.memory_space<vmem>>, %arg8: memref<!tpu.dma_semaphore, #tpu.memory_space<semaphore_mem>>) attributes {dimension_semantics = [#tpu.dimension_semantics<core_parallel>, #tpu.dimension_semantics<subcore_parallel>], iteration_bounds = array<i64: 2, 16>, scalar_prefetch = 0 : i64, scratch_operands = 4 : i64, tpu.core_type = #tpu.core_type<sc_vector_subcore>, window_params = [{transform_indices = #map}, {transform_indices = #map1}, {transform_indices = #map}]} {
    %mul3A = arith.constant 2 : i32
    %mul3A_0 = arith.muli %arg1, %mul3A : i32
    %add3A = arith.addi %mul3A_0, %arg0 : i32
    %mul3A_1 = arith.constant 96 : i32
    %mul3A_2 = arith.muli %add3A, %mul3A_1 : i32
    "tpu.region"() ({
      %run_scoped3A = tpu.sem_alloc : memref<!tpu.dma_semaphore, #tpu.memory_space<semaphore_mem>>
      %dma_start3A_64 = tpu.memref_slice %arg3[%mul3A_2] : memref<3072xi32, #tpu.memory_space<hbm>> -> memref<96xi32, #tpu.memory_space<hbm>>
      %dma_start3A_65 = tpu.memref_slice %arg3[%mul3A_2] : memref<3072xi32, #tpu.memory_space<hbm>> -> memref<96xi32, #tpu.memory_space<hbm>>
      tpu.enqueue_dma source(%dma_start3A_65 : memref<96xi32, #tpu.memory_space<hbm>>) target(%arg5 : memref<96xi32, #tpu.memory_space<vmem>>) target_semaphore(%run_scoped3A : memref<!tpu.dma_semaphore, #tpu.memory_space<semaphore_mem>>)
      %dma_wait3A_66 = tpu.memref_slice %arg3[%mul3A_2] : memref<3072xi32, #tpu.memory_space<hbm>> -> memref<96xi32, #tpu.memory_space<hbm>>
      %dma_wait3A_67 = tpu.memref_slice %arg3[%mul3A_2] : memref<3072xi32, #tpu.memory_space<hbm>> -> memref<96xi32, #tpu.memory_space<hbm>>
      tpu.wait_dma2 semaphore(%run_scoped3A : memref<!tpu.dma_semaphore, #tpu.memory_space<semaphore_mem>>) src(%dma_wait3A_67 : memref<96xi32, #tpu.memory_space<hbm>>) dst(%arg5 : memref<96xi32, #tpu.memory_space<vmem>>)
      tpu.yield
    }) : () -> ()
    %get3A = arith.constant 0 : index
    %get3A_3 = tpu.vector_load %arg5[%get3A] {strides = array<i32>} : memref<96xi32, #tpu.memory_space<vmem>>, vector<16xi32>,
    %get3A_4 = vector.shape_cast %get3A_3 : vector<16xi32> to vector<16xi32>
    %shift_right_logical3A = arith.constant 1 : i32
    %shift_right_logical3A_5 = vector.broadcast %shift_right_logical3A : i32 to vector<16xi32>
    %shift_right_logical3A_6 = arith.shrui %get3A_4, %shift_right_logical3A_5 : vector<16xi32>
    %swap3A = arith.constant 0 : index
    %swap3A_7 = tpu.vector_load %arg6[%swap3A] {strides = array<i32>} : memref<96xi32, #tpu.memory_space<vmem>>, vector<16xi32>,
    %swap3A_8 = vector.shape_cast %swap3A_7 : vector<16xi32> to vector<16xi32>
    %swap3A_9 = vector.shape_cast %shift_right_logical3A_6 : vector<16xi32> to vector<16xi32>
    tpu.vector_store %arg6[%swap3A], %swap3A_9 {strides = array<i32>} : memref<96xi32, #tpu.memory_space<vmem>>, vector<16xi32>,
    %get3A_10 = arith.constant 16 : index
    %get3A_11 = tpu.vector_load %arg5[%get3A_10] {strides = array<i32>} : memref<96xi32, #tpu.memory_space<vmem>>, vector<16xi32>,
    %get3A_12 = vector.shape_cast %get3A_11 : vector<16xi32> to vector<16xi32>
    %shift_right_logical3A_13 = arith.constant 1 : i32
    %shift_right_logical3A_14 = vector.broadcast %shift_right_logical3A_13 : i32 to vector<16xi32>
    %shift_right_logical3A_15 = arith.shrui %get3A_12, %shift_right_logical3A_14 : vector<16xi32>
    %swap3A_16 = arith.constant 16 : index
    %swap3A_17 = tpu.vector_load %arg6[%swap3A_16] {strides = array<i32>} : memref<96xi32, #tpu.memory_space<vmem>>, vector<16xi32>,
    %swap3A_18 = vector.shape_cast %swap3A_17 : vector<16xi32> to vector<16xi32>
    %swap3A_19 = vector.shape_cast %shift_right_logical3A_15 : vector<16xi32> to vector<16xi32>
    tpu.vector_store %arg6[%swap3A_16], %swap3A_19 {strides = array<i32>} : memref<96xi32, #tpu.memory_space<vmem>>, vector<16xi32>,
    %get3A_20 = arith.constant 32 : index
    %get3A_21 = tpu.vector_load %arg5[%get3A_20] {strides = array<i32>} : memref<96xi32, #tpu.memory_space<vmem>>, vector<16xi32>,
    %get3A_22 = vector.shape_cast %get3A_21 : vector<16xi32> to vector<16xi32>
    %shift_right_logical3A_23 = arith.constant 1 : i32
    %shift_right_logical3A_24 = vector.broadcast %shift_right_logical3A_23 : i32 to vector<16xi32>
    %shift_right_logical3A_25 = arith.shrui %get3A_22, %shift_right_logical3A_24 : vector<16xi32>
    %swap3A_26 = arith.constant 32 : index
    %swap3A_27 = tpu.vector_load %arg6[%swap3A_26] {strides = array<i32>} : memref<96xi32, #tpu.memory_space<vmem>>, vector<16xi32>,
    %swap3A_28 = vector.shape_cast %swap3A_27 : vector<16xi32> to vector<16xi32>
    %swap3A_29 = vector.shape_cast %shift_right_logical3A_25 : vector<16xi32> to vector<16xi32>
    tpu.vector_store %arg6[%swap3A_26], %swap3A_29 {strides = array<i32>} : memref<96xi32, #tpu.memory_space<vmem>>, vector<16xi32>,
    %get3A_30 = arith.constant 48 : index
    %get3A_31 = tpu.vector_load %arg5[%get3A_30] {strides = array<i32>} : memref<96xi32, #tpu.memory_space<vmem>>, vector<16xi32>,
    %get3A_32 = vector.shape_cast %get3A_31 : vector<16xi32> to vector<16xi32>
    %shift_right_logical3A_33 = arith.constant 1 : i32
    %shift_right_logical3A_34 = vector.broadcast %shift_right_logical3A_33 : i32 to vector<16xi32>
    %shift_right_logical3A_35 = arith.shrui %get3A_32, %shift_right_logical3A_34 : vector<16xi32>
    %swap3A_36 = arith.constant 48 : index
    %swap3A_37 = tpu.vector_load %arg6[%swap3A_36] {strides = array<i32>} : memref<96xi32, #tpu.memory_space<vmem>>, vector<16xi32>,
    %swap3A_38 = vector.shape_cast %swap3A_37 : vector<16xi32> to vector<16xi32>
    %swap3A_39 = vector.shape_cast %shift_right_logical3A_35 : vector<16xi32> to vector<16xi32>
    tpu.vector_store %arg6[%swap3A_36], %swap3A_39 {strides = array<i32>} : memref<96xi32, #tpu.memory_space<vmem>>, vector<16xi32>,
    %get3A_40 = arith.constant 64 : index
    %get3A_41 = tpu.vector_load %arg5[%get3A_40] {strides = array<i32>} : memref<96xi32, #tpu.memory_space<vmem>>, vector<16xi32>,
    %get3A_42 = vector.shape_cast %get3A_41 : vector<16xi32> to vector<16xi32>
    %shift_right_logical3A_43 = arith.constant 1 : i32
    %shift_right_logical3A_44 = vector.broadcast %shift_right_logical3A_43 : i32 to vector<16xi32>
    %shift_right_logical3A_45 = arith.shrui %get3A_42, %shift_right_logical3A_44 : vector<16xi32>
    %swap3A_46 = arith.constant 64 : index
    %swap3A_47 = tpu.vector_load %arg6[%swap3A_46] {strides = array<i32>} : memref<96xi32, #tpu.memory_space<vmem>>, vector<16xi32>,
    %swap3A_48 = vector.shape_cast %swap3A_47 : vector<16xi32> to vector<16xi32>
    %swap3A_49 = vector.shape_cast %shift_right_logical3A_45 : vector<16xi32> to vector<16xi32>
    tpu.vector_store %arg6[%swap3A_46], %swap3A_49 {strides = array<i32>} : memref<96xi32, #tpu.memory_space<vmem>>, vector<16xi32>,
    %get3A_50 = arith.constant 80 : index
    %get3A_51 = tpu.vector_load %arg5[%get3A_50] {strides = array<i32>} : memref<96xi32, #tpu.memory_space<vmem>>, vector<16xi32>,
    %get3A_52 = vector.shape_cast %get3A_51 : vector<16xi32> to vector<16xi32>
    %shift_right_logical3A_53 = arith.constant 1 : i32
    %shift_right_logical3A_54 = vector.broadcast %shift_right_logical3A_53 : i32 to vector<16xi32>
    %shift_right_logical3A_55 = arith.shrui %get3A_52, %shift_right_logical3A_54 : vector<16xi32>
    %swap3A_56 = arith.constant 80 : index
    %swap3A_57 = tpu.vector_load %arg6[%swap3A_56] {strides = array<i32>} : memref<96xi32, #tpu.memory_space<vmem>>, vector<16xi32>,
    %swap3A_58 = vector.shape_cast %swap3A_57 : vector<16xi32> to vector<16xi32>
    %swap3A_59 = vector.shape_cast %shift_right_logical3A_55 : vector<16xi32> to vector<16xi32>
    tpu.vector_store %arg6[%swap3A_56], %swap3A_59 {strides = array<i32>} : memref<96xi32, #tpu.memory_space<vmem>>, vector<16xi32>,
    %dma_start3A = arith.constant 0 : i32
    %dma_start3A_60 = arith.constant 0 : i32
    %dma_start3A_61 = tpu.memref_slice %arg2[%dma_start3A, %dma_start3A_60] : memref<50000x128xf32, #tpu.memory_space<hbm>> -> memref<50000x128xf32, #tpu.memory_space<hbm>>
    tpu.enqueue_indirect_dma source(%dma_start3A_61 : memref<50000x128xf32, #tpu.memory_space<hbm>>) target(%arg7 : memref<96x128xf32, #tpu.memory_space<vmem>>) offsets(%arg6 : memref<96xi32, #tpu.memory_space<vmem>>) semaphore(%arg8 : memref<!tpu.dma_semaphore, #tpu.memory_space<semaphore_mem>>)
    %dma_wait3A = arith.constant 0 : i32
    %dma_wait3A_62 = arith.constant 0 : i32
    %dma_wait3A_63 = tpu.memref_slice %arg2[%dma_wait3A, %dma_wait3A_62] : memref<50000x128xf32, #tpu.memory_space<hbm>> -> memref<50000x128xf32, #tpu.memory_space<hbm>>
    tpu.wait_indirect_dma semaphore(%arg8 : memref<!tpu.dma_semaphore, #tpu.memory_space<semaphore_mem>>) src(%dma_wait3A_63 : memref<50000x128xf32, #tpu.memory_space<hbm>>) dst(%arg7 : memref<96x128xf32, #tpu.memory_space<vmem>>)
    "tpu.region"() ({
      %run_scoped3A = tpu.sem_alloc : memref<!tpu.dma_semaphore, #tpu.memory_space<semaphore_mem>>
      %dma_start3A_64 = arith.constant 0 : i32
      %dma_start3A_65 = tpu.memref_slice %arg4[%mul3A_2, %dma_start3A_64] : memref<3072x128xf32, #tpu.memory_space<hbm>> -> memref<96x128xf32, #tpu.memory_space<hbm>>
      %dma_start3A_66 = arith.constant 0 : i32
      %dma_start3A_67 = tpu.memref_slice %arg4[%mul3A_2, %dma_start3A_66] : memref<3072x128xf32, #tpu.memory_space<hbm>> -> memref<96x128xf32, #tpu.memory_space<hbm>>
      tpu.enqueue_dma source(%arg7 : memref<96x128xf32, #tpu.memory_space<vmem>>) target(%dma_start3A_67 : memref<96x128xf32, #tpu.memory_space<hbm>>) target_semaphore(%run_scoped3A : memref<!tpu.dma_semaphore, #tpu.memory_space<semaphore_mem>>)
      %dma_wait3A_68 = arith.constant 0 : i32
      %dma_wait3A_69 = tpu.memref_slice %arg4[%mul3A_2, %dma_wait3A_68] : memref<3072x128xf32, #tpu.memory_space<hbm>> -> memref<96x128xf32, #tpu.memory_space<hbm>>
      %dma_wait3A_70 = arith.constant 0 : i32
      %dma_wait3A_71 = tpu.memref_slice %arg4[%mul3A_2, %dma_wait3A_70] : memref<3072x128xf32, #tpu.memory_space<hbm>> -> memref<96x128xf32, #tpu.memory_space<hbm>>
      tpu.wait_dma2 semaphore(%run_scoped3A : memref<!tpu.dma_semaphore, #tpu.memory_space<semaphore_mem>>) src(%arg7 : memref<96x128xf32, #tpu.memory_space<vmem>>) dst(%dma_wait3A_71 : memref<96x128xf32, #tpu.memory_space<hbm>>)
      tpu.yield
    }) : () -> ()
    return
  }
}

module attributes {stable_mosaic.version = 14 : i64} {
  func.func @_row_topk_kernel(%arg0: i32, %arg1: memref<1024x64xf32, #tpu.memory_space<vmem>>, %arg2: memref<5000x64xf32, #tpu.memory_space<vmem>>, %arg3: memref<8x1024xi32, #tpu.memory_space<vmem>>, %arg4: memref<8x1024xf32, #tpu.memory_space<vmem>>, %arg5: memref<8x1024xf32, #tpu.memory_space<vmem>>, %arg6: memref<1024x64xf32, #tpu.memory_space<vmem>>, %arg7: memref<8x5000xbf16, #tpu.memory_space<vmem>>) attributes {dimension_semantics = [#tpu.dimension_semantics<arbitrary>], iteration_bounds = array<i64: 20>, scalar_prefetch = 0 : i64, scratch_operands = 4 : i64, tpu.core_type = #tpu.core_type<tc>, window_params = [{pipeline_mode = #tpu.pipeline_mode<synchronous>, transform_indices = @transform_0, window_bounds = array<i64: 1024, 64>}, {transform_indices = @transform_1, window_bounds = array<i64: 5000, 64>}, {pipeline_mode = #tpu.pipeline_mode<synchronous>, transform_indices = @transform_2, window_bounds = array<i64: 8, 1024>}]} {
    %eq3A = arith.constant 0 : i32
    %eq3A_0 = arith.cmpi eq, %arg0, %eq3A : i32
    %convert_element_type3A = arith.extui %eq3A_0 : i1 to i32
    %cond3A = arith.constant 0 : i32
    %cond3A_1 = arith.cmpi ne, %convert_element_type3A, %cond3A : i32
    scf.if %cond3A_1 {
      %broadcast_in_dim3A_270 = arith.constant 0xFF800000 : f32
      %broadcast_in_dim3A_271 = vector.broadcast %broadcast_in_dim3A_270 : f32 to vector<8x1024xf32>
      %swap3A_272 = arith.constant 0 : index
      %swap3A_273 = arith.constant 0 : index
      %swap3A_274 = vector.load %arg4[%swap3A_272, %swap3A_273] : memref<8x1024xf32, #tpu.memory_space<vmem>>, vector<8x1024xf32>
      tpu.vector_store %arg4[%swap3A_272, %swap3A_273], %broadcast_in_dim3A_271 {strides = array<i32>} : memref<8x1024xf32, #tpu.memory_space<vmem>>, vector<8x1024xf32>,
      %broadcast_in_dim3A_275 = arith.constant 0x4B800000 : f32
      %broadcast_in_dim3A_276 = vector.broadcast %broadcast_in_dim3A_275 : f32 to vector<8x1024xf32>
      %swap3A_277 = arith.constant 0 : index
      %swap3A_278 = arith.constant 0 : index
      %swap3A_279 = vector.load %arg5[%swap3A_277, %swap3A_278] : memref<8x1024xf32, #tpu.memory_space<vmem>>, vector<8x1024xf32>
      tpu.vector_store %arg5[%swap3A_277, %swap3A_278], %broadcast_in_dim3A_276 {strides = array<i32>} : memref<8x1024xf32, #tpu.memory_space<vmem>>, vector<8x1024xf32>,
      %get3A_280 = arith.constant 0 : index
      %get3A_281 = arith.constant 0 : index
      %get3A_282 = vector.load %arg1[%get3A_280, %get3A_281] : memref<1024x64xf32, #tpu.memory_space<vmem>>, vector<1024x64xf32>
      %mul3A_283 = arith.mulf %get3A_282, %get3A_282 : vector<1024x64xf32>
      %reduce_sum3A_284 = arith.constant dense<0.000000e+00> : vector<1024xf32>
      %reduce_sum3A_285 = vector.multi_reduction <add>, %mul3A_283, %reduce_sum3A_284 [1] : vector<1024x64xf32> to vector<1024xf32>
      %broadcast_in_dim3A_286 = vector.shape_cast %reduce_sum3A_285 : vector<1024xf32> to vector<1024x1xf32>
      %sqrt3A_287 = math.sqrt %broadcast_in_dim3A_286 : vector<1024x1xf32>
      %add3A_288 = arith.constant 9.99999996E-13 : f32
      %add3A_289 = vector.broadcast %add3A_288 : f32 to vector<1024x1xf32>
      %add3A_290 = arith.addf %sqrt3A_287, %add3A_289 : vector<1024x1xf32>
      %div3A_291 = arith.constant 1.000000e+00 : f32
      %div3A_292 = vector.broadcast %div3A_291 : f32 to vector<1024x1xf32>
      %div3A_293 = arith.divf %div3A_292, %add3A_290 : vector<1024x1xf32>
      %mul3A_294 = vector.broadcast %div3A_293 : vector<1024x1xf32> to vector<1024x64xf32>
      %mul3A_295 = arith.mulf %get3A_282, %mul3A_294 : vector<1024x64xf32>
      %swap3A_296 = arith.constant 0 : index
      %swap3A_297 = arith.constant 0 : index
      %swap3A_298 = vector.load %arg6[%swap3A_296, %swap3A_297] : memref<1024x64xf32, #tpu.memory_space<vmem>>, vector<1024x64xf32>
      tpu.vector_store %arg6[%swap3A_296, %swap3A_297], %mul3A_295 {strides = array<i32>} : memref<1024x64xf32, #tpu.memory_space<vmem>>, vector<1024x64xf32>,
      %iota3A = tpu.iota {dimensions = array<i32: 1>} : vector<8x5000xi32>
      %iota3A_299 = tpu.iota {dimensions = array<i32: 0>} : vector<8x5000xi32>
      %mul3A_300 = arith.muli %iota3A, %iota3A : vector<8x5000xi32>
      %shift_right_arithmetic3A = arith.constant 6 : i32
      %shift_right_arithmetic3A_301 = vector.broadcast %shift_right_arithmetic3A : i32 to vector<8x5000xi32>
      %shift_right_arithmetic3A_302 = arith.shrsi %iota3A, %shift_right_arithmetic3A_301 : vector<8x5000xi32>
      %and3A = arith.constant 63 : i32
      %and3A_303 = vector.broadcast %and3A : i32 to vector<8x5000xi32>
      %and3A_304 = arith.andi %iota3A, %and3A_303 : vector<8x5000xi32>
      %broadcast_in_dim3A_305 = arith.constant 1 : i32
      %broadcast_in_dim3A_306 = vector.broadcast %broadcast_in_dim3A_305 : i32 to vector<8x5000xi32>
      %shift_right_arithmetic3A_307 = arith.constant 16 : i32
      %shift_right_arithmetic3A_308 = vector.broadcast %shift_right_arithmetic3A_307 : i32 to vector<8x5000xi32>
      %shift_right_arithmetic3A_309 = arith.shrsi %mul3A_300, %shift_right_arithmetic3A_308 : vector<8x5000xi32>
      %and3A_310 = arith.constant 255 : i32
      %and3A_311 = vector.broadcast %and3A_310 : i32 to vector<8x5000xi32>
      %and3A_312 = arith.andi %shift_right_arithmetic3A_309, %and3A_311 : vector<8x5000xi32>
      %shift_right_arithmetic3A_313 = arith.constant 8 : i32
      %shift_right_arithmetic3A_314 = vector.broadcast %shift_right_arithmetic3A_313 : i32 to vector<8x5000xi32>
      %shift_right_arithmetic3A_315 = arith.shrsi %mul3A_300, %shift_right_arithmetic3A_314 : vector<8x5000xi32>
      %and3A_316 = arith.constant 255 : i32
      %and3A_317 = vector.broadcast %and3A_316 : i32 to vector<8x5000xi32>
      %and3A_318 = arith.andi %shift_right_arithmetic3A_315, %and3A_317 : vector<8x5000xi32>
      %and3A_319 = arith.constant 255 : i32
      %and3A_320 = vector.broadcast %and3A_319 : i32 to vector<8x5000xi32>
      %and3A_321 = arith.andi %mul3A_300, %and3A_320 : vector<8x5000xi32>
      %broadcast_in_dim3A_322 = arith.constant 0.000000e+00 : f32
      %broadcast_in_dim3A_323 = vector.broadcast %broadcast_in_dim3A_322 : f32 to vector<8x5000xf32>
      %eq3A_324 = arith.constant 0 : i32
      %eq3A_325 = vector.broadcast %eq3A_324 : i32 to vector<8x5000xi32>
      %eq3A_326 = arith.cmpi eq, %iota3A_299, %eq3A_325 : vector<8x5000xi32>
      %convert_element_type3A_327 = arith.sitofp %shift_right_arithmetic3A_302 : vector<8x5000xi32> to vector<8x5000xf32>
      %select_n3A_328 = arith.select %eq3A_326, %convert_element_type3A_327, %broadcast_in_dim3A_323 : vector<8x5000xi1>, vector<8x5000xf32>
      %eq3A_329 = arith.constant 1 : i32
      %eq3A_330 = vector.broadcast %eq3A_329 : i32 to vector<8x5000xi32>
      %eq3A_331 = arith.cmpi eq, %iota3A_299, %eq3A_330 : vector<8x5000xi32>
      %convert_element_type3A_332 = arith.sitofp %and3A_304 : vector<8x5000xi32> to vector<8x5000xf32>
      %select_n3A_333 = arith.select %eq3A_331, %convert_element_type3A_332, %select_n3A_328 : vector<8x5000xi1>, vector<8x5000xf32>
      %eq3A_334 = arith.constant 2 : i32
      %eq3A_335 = vector.broadcast %eq3A_334 : i32 to vector<8x5000xi32>
      %eq3A_336 = arith.cmpi eq, %iota3A_299, %eq3A_335 : vector<8x5000xi32>
      %convert_element_type3A_337 = arith.sitofp %broadcast_in_dim3A_306 : vector<8x5000xi32> to vector<8x5000xf32>
      %select_n3A_338 = arith.select %eq3A_336, %convert_element_type3A_337, %select_n3A_333 : vector<8x5000xi1>, vector<8x5000xf32>
      %eq3A_339 = arith.constant 3 : i32
      %eq3A_340 = vector.broadcast %eq3A_339 : i32 to vector<8x5000xi32>
      %eq3A_341 = arith.cmpi eq, %iota3A_299, %eq3A_340 : vector<8x5000xi32>
      %convert_element_type3A_342 = arith.sitofp %and3A_312 : vector<8x5000xi32> to vector<8x5000xf32>
      %select_n3A_343 = arith.select %eq3A_341, %convert_element_type3A_342, %select_n3A_338 : vector<8x5000xi1>, vector<8x5000xf32>
      %eq3A_344 = arith.constant 4 : i32
      %eq3A_345 = vector.broadcast %eq3A_344 : i32 to vector<8x5000xi32>
      %eq3A_346 = arith.cmpi eq, %iota3A_299, %eq3A_345 : vector<8x5000xi32>
      %convert_element_type3A_347 = arith.sitofp %and3A_318 : vector<8x5000xi32> to vector<8x5000xf32>
      %select_n3A_348 = arith.select %eq3A_346, %convert_element_type3A_347, %select_n3A_343 : vector<8x5000xi1>, vector<8x5000xf32>
      %eq3A_349 = arith.constant 5 : i32
      %eq3A_350 = vector.broadcast %eq3A_349 : i32 to vector<8x5000xi32>
      %eq3A_351 = arith.cmpi eq, %iota3A_299, %eq3A_350 : vector<8x5000xi32>
      %convert_element_type3A_352 = arith.sitofp %and3A_321 : vector<8x5000xi32> to vector<8x5000xf32>
      %select_n3A_353 = arith.select %eq3A_351, %convert_element_type3A_352, %select_n3A_348 : vector<8x5000xi1>, vector<8x5000xf32>
      %convert_element_type3A_354 = arith.truncf %select_n3A_353 : vector<8x5000xf32> to vector<8x5000xbf16>
      %swap3A_355 = arith.constant 0 : index
      %swap3A_356 = arith.constant 0 : index
      %swap3A_357 = vector.load %arg7[%swap3A_355, %swap3A_356] : memref<8x5000xbf16, #tpu.memory_space<vmem>>, vector<8x5000xbf16>
      tpu.vector_store %arg7[%swap3A_355, %swap3A_356], %convert_element_type3A_354 {strides = array<i32>} : memref<8x5000xbf16, #tpu.memory_space<vmem>>, vector<8x5000xbf16>,
    } else {
    }
    %get3A = arith.constant 0 : index
    %get3A_2 = arith.constant 0 : index
    %get3A_3 = vector.load %arg6[%get3A, %get3A_2] : memref<1024x64xf32, #tpu.memory_space<vmem>>, vector<1024x64xf32>
    %get3A_4 = arith.constant 0 : index
    %get3A_5 = arith.constant 0 : index
    %get3A_6 = vector.load %arg2[%get3A_4, %get3A_5] : memref<5000x64xf32, #tpu.memory_space<vmem>>, vector<5000x64xf32>
    %mul3A = arith.mulf %get3A_6, %get3A_6 : vector<5000x64xf32>
    %reduce_sum3A = arith.constant dense<0.000000e+00> : vector<5000xf32>
    %reduce_sum3A_7 = vector.multi_reduction <add>, %mul3A, %reduce_sum3A [1] : vector<5000x64xf32> to vector<5000xf32>
    %broadcast_in_dim3A = vector.shape_cast %reduce_sum3A_7 : vector<5000xf32> to vector<5000x1xf32>
    %sqrt3A = math.sqrt %broadcast_in_dim3A : vector<5000x1xf32>
    %add3A = arith.constant 9.99999996E-13 : f32
    %add3A_8 = vector.broadcast %add3A : f32 to vector<5000x1xf32>
    %add3A_9 = arith.addf %sqrt3A, %add3A_8 : vector<5000x1xf32>
    %div3A = arith.constant 1.000000e+00 : f32
    %div3A_10 = vector.broadcast %div3A : f32 to vector<5000x1xf32>
    %div3A_11 = arith.divf %div3A_10, %add3A_9 : vector<5000x1xf32>
    %mul3A_12 = vector.broadcast %div3A_11 : vector<5000x1xf32> to vector<5000x64xf32>
    %mul3A_13 = arith.mulf %get3A_6, %mul3A_12 : vector<5000x64xf32>
    %dot_general3A = arith.constant dense<0.000000e+00> : vector<5000x1024xf32>
    %dot_general3A_14 = tpu.matmul %mul3A_13, %get3A_3, %dot_general3A {dimension_numbers = #tpu.dot_dimension_numbers<[1], [1], [0], [0], [0, 0, 1, 0], [], []>, transpose_lhs_hint = false} : vector<5000x64xf32>, vector<1024x64xf32>, vector<5000x1024xf32> -> vector<5000x1024xf32>
    %get3A_15 = arith.constant 0 : index
    %get3A_16 = arith.constant 0 : index
    %get3A_17 = vector.load %arg7[%get3A_15, %get3A_16] : memref<8x5000xbf16, #tpu.memory_space<vmem>>, vector<8x5000xbf16>
    %reduce_max3A = arith.constant dense<0xFF800000> : vector<1024xf32>
    %reduce_max3A_18 = vector.multi_reduction <maximumf>, %dot_general3A_14, %reduce_max3A [0] : vector<5000x1024xf32> to vector<1024xf32>
    %broadcast_in_dim3A_19 = vector.shape_cast %reduce_max3A_18 : vector<1024xf32> to vector<1x1024xf32>
    %eq3A_20 = vector.broadcast %broadcast_in_dim3A_19 : vector<1x1024xf32> to vector<5000x1024xf32>
    %eq3A_21 = arith.cmpf oeq, %dot_general3A_14, %eq3A_20 : vector<5000x1024xf32>
    %jit3A = arith.constant 1.000000e+00 : f32
    %jit3A_22 = arith.constant 0.000000e+00 : f32
    %broadcast_in_dim3A_23 = vector.broadcast %jit3A : f32 to vector<5000x1024xf32>
    %broadcast_in_dim3A_24 = vector.broadcast %jit3A_22 : f32 to vector<5000x1024xf32>
    %select_n3A = arith.select %eq3A_21, %broadcast_in_dim3A_23, %broadcast_in_dim3A_24 : vector<5000x1024xi1>, vector<5000x1024xf32>
    %convert_element_type3A_25 = arith.truncf %select_n3A : vector<5000x1024xf32> to vector<5000x1024xbf16>
    %dot_general3A_26 = arith.constant dense<0.000000e+00> : vector<8x1024xf32>
    %dot_general3A_27 = tpu.matmul %get3A_17, %convert_element_type3A_25, %dot_general3A_26 {dimension_numbers = #tpu.dot_dimension_numbers<[1], [0], [0], [1], [0, 0, 1, 1], [], []>, transpose_lhs_hint = false} : vector<8x5000xbf16>, vector<5000x1024xbf16>, vector<8x1024xf32> -> vector<8x1024xf32>
    %slice3A = vector.extract_strided_slice %dot_general3A_27 {offsets = [2, 0], sizes = [1, 1024], strides = [1, 1]} : vector<8x1024xf32> to vector<1x1024xf32>
    %slice3A_28 = vector.extract_strided_slice %dot_general3A_27 {offsets = [0, 0], sizes = [1, 1024], strides = [1, 1]} : vector<8x1024xf32> to vector<1x1024xf32>
    %convert_element_type3A_29 = arith.fptosi %slice3A_28 : vector<1x1024xf32> to vector<1x1024xi32>
    %mul3A_30 = arith.constant 64 : i32
    %mul3A_31 = vector.broadcast %mul3A_30 : i32 to vector<1x1024xi32>
    %mul3A_32 = arith.muli %convert_element_type3A_29, %mul3A_31 : vector<1x1024xi32>
    %slice3A_33 = vector.extract_strided_slice %dot_general3A_27 {offsets = [1, 0], sizes = [1, 1024], strides = [1, 1]} : vector<8x1024xf32> to vector<1x1024xf32>
    %convert_element_type3A_34 = arith.fptosi %slice3A_33 : vector<1x1024xf32> to vector<1x1024xi32>
    %add3A_35 = arith.addi %mul3A_32, %convert_element_type3A_34 : vector<1x1024xi32>
    %slice3A_36 = vector.extract_strided_slice %dot_general3A_27 {offsets = [3, 0], sizes = [1, 1024], strides = [1, 1]} : vector<8x1024xf32> to vector<1x1024xf32>
    %convert_element_type3A_37 = arith.fptosi %slice3A_36 : vector<1x1024xf32> to vector<1x1024xi32>
    %shift_left3A = arith.constant 16 : i32
    %shift_left3A_38 = vector.broadcast %shift_left3A : i32 to vector<1x1024xi32>
    %shift_left3A_39 = arith.shli %convert_element_type3A_37, %shift_left3A_38 : vector<1x1024xi32>
    %slice3A_40 = vector.extract_strided_slice %dot_general3A_27 {offsets = [4, 0], sizes = [1, 1024], strides = [1, 1]} : vector<8x1024xf32> to vector<1x1024xf32>
    %convert_element_type3A_41 = arith.fptosi %slice3A_40 : vector<1x1024xf32> to vector<1x1024xi32>
    %shift_left3A_42 = arith.constant 8 : i32
    %shift_left3A_43 = vector.broadcast %shift_left3A_42 : i32 to vector<1x1024xi32>
    %shift_left3A_44 = arith.shli %convert_element_type3A_41, %shift_left3A_43 : vector<1x1024xi32>
    %add3A_45 = arith.addi %shift_left3A_39, %shift_left3A_44 : vector<1x1024xi32>
    %slice3A_46 = vector.extract_strided_slice %dot_general3A_27 {offsets = [5, 0], sizes = [1, 1024], strides = [1, 1]} : vector<8x1024xf32> to vector<1x1024xf32>
    %convert_element_type3A_47 = arith.fptosi %slice3A_46 : vector<1x1024xf32> to vector<1x1024xi32>
    %add3A_48 = arith.addi %add3A_45, %convert_element_type3A_47 : vector<1x1024xi32>
    %mul3A_49 = arith.constant 2 : i32
    %mul3A_50 = vector.broadcast %mul3A_49 : i32 to vector<1x1024xi32>
    %mul3A_51 = arith.muli %mul3A_50, %add3A_48 : vector<1x1024xi32>
    %mul3A_52 = arith.muli %add3A_35, %add3A_35 : vector<1x1024xi32>
    %sub3A = arith.subi %mul3A_51, %mul3A_52 : vector<1x1024xi32>
    %max3A = arith.constant 0 : i32
    %max3A_53 = vector.broadcast %max3A : i32 to vector<1x1024xi32>
    %max3A_54 = arith.maxsi %sub3A, %max3A_53 : vector<1x1024xi32>
    %convert_element_type3A_55 = arith.sitofp %max3A_54 : vector<1x1024xi32> to vector<1x1024xf32>
    %sqrt3A_56 = math.sqrt %convert_element_type3A_55 : vector<1x1024xf32>
    %convert_element_type3A_57 = arith.sitofp %add3A_35 : vector<1x1024xi32> to vector<1x1024xf32>
    %gt3A = arith.constant 1.500000e+00 : f32
    %gt3A_58 = vector.broadcast %gt3A : f32 to vector<1x1024xf32>
    %gt3A_59 = arith.cmpf ogt, %slice3A, %gt3A_58 : vector<1x1024xf32>
    %sub3A_60 = arith.subf %convert_element_type3A_57, %sqrt3A_56 : vector<1x1024xf32>
    %mul3A_61 = arith.constant 5.000000e-01 : f32
    %mul3A_62 = vector.broadcast %mul3A_61 : f32 to vector<1x1024xf32>
    %mul3A_63 = arith.mulf %mul3A_62, %sub3A_60 : vector<1x1024xf32>
    %select_n3A_64 = arith.select %gt3A_59, %mul3A_63, %convert_element_type3A_57 : vector<1x1024xi1>, vector<1x1024xf32>
    %add3A_65 = arith.addf %convert_element_type3A_57, %sqrt3A_56 : vector<1x1024xf32>
    %mul3A_66 = arith.constant 5.000000e-01 : f32
    %mul3A_67 = vector.broadcast %mul3A_66 : f32 to vector<1x1024xf32>
    %mul3A_68 = arith.mulf %mul3A_67, %add3A_65 : vector<1x1024xf32>
    %jit3A_69 = arith.constant 0xFF800000 : f32
    %broadcast_in_dim3A_70 = vector.broadcast %jit3A_69 : f32 to vector<1x1024xf32>
    %select_n3A_71 = arith.select %gt3A_59, %broadcast_in_dim3A_19, %broadcast_in_dim3A_70 : vector<1x1024xi1>, vector<1x1024xf32>
    %jit3A_72 = arith.constant 0xFF800000 : f32
    %broadcast_in_dim3A_73 = vector.broadcast %jit3A_72 : f32 to vector<5000x1024xf32>
    %select_n3A_74 = arith.select %eq3A_21, %broadcast_in_dim3A_73, %dot_general3A_14 : vector<5000x1024xi1>, vector<5000x1024xf32>
    %reduce_max3A_75 = arith.constant dense<0xFF800000> : vector<1024xf32>
    %reduce_max3A_76 = vector.multi_reduction <maximumf>, %select_n3A_74, %reduce_max3A_75 [0] : vector<5000x1024xf32> to vector<1024xf32>
    %broadcast_in_dim3A_77 = vector.shape_cast %reduce_max3A_76 : vector<1024xf32> to vector<1x1024xf32>
    %eq3A_78 = vector.broadcast %broadcast_in_dim3A_77 : vector<1x1024xf32> to vector<5000x1024xf32>
    %eq3A_79 = arith.cmpf oeq, %select_n3A_74, %eq3A_78 : vector<5000x1024xf32>
    %jit3A_80 = arith.constant 1.000000e+00 : f32
    %jit3A_81 = arith.constant 0.000000e+00 : f32
    %broadcast_in_dim3A_82 = vector.broadcast %jit3A_80 : f32 to vector<5000x1024xf32>
    %broadcast_in_dim3A_83 = vector.broadcast %jit3A_81 : f32 to vector<5000x1024xf32>
    %select_n3A_84 = arith.select %eq3A_79, %broadcast_in_dim3A_82, %broadcast_in_dim3A_83 : vector<5000x1024xi1>, vector<5000x1024xf32>
    %convert_element_type3A_85 = arith.truncf %select_n3A_84 : vector<5000x1024xf32> to vector<5000x1024xbf16>
    %dot_general3A_86 = arith.constant dense<0.000000e+00> : vector<8x1024xf32>
    %dot_general3A_87 = tpu.matmul %get3A_17, %convert_element_type3A_85, %dot_general3A_86 {dimension_numbers = #tpu.dot_dimension_numbers<[1], [0], [0], [1], [0, 0, 1, 1], [], []>, transpose_lhs_hint = false} : vector<8x5000xbf16>, vector<5000x1024xbf16>, vector<8x1024xf32> -> vector<8x1024xf32>
    %slice3A_88 = vector.extract_strided_slice %dot_general3A_87 {offsets = [2, 0], sizes = [1, 1024], strides = [1, 1]} : vector<8x1024xf32> to vector<1x1024xf32>
    %slice3A_89 = vector.extract_strided_slice %dot_general3A_87 {offsets = [0, 0], sizes = [1, 1024], strides = [1, 1]} : vector<8x1024xf32> to vector<1x1024xf32>
    %convert_element_type3A_90 = arith.fptosi %slice3A_89 : vector<1x1024xf32> to vector<1x1024xi32>
    %mul3A_91 = arith.constant 64 : i32
    %mul3A_92 = vector.broadcast %mul3A_91 : i32 to vector<1x1024xi32>
    %mul3A_93 = arith.muli %convert_element_type3A_90, %mul3A_92 : vector<1x1024xi32>
    %slice3A_94 = vector.extract_strided_slice %dot_general3A_87 {offsets = [1, 0], sizes = [1, 1024], strides = [1, 1]} : vector<8x1024xf32> to vector<1x1024xf32>
    %convert_element_type3A_95 = arith.fptosi %slice3A_94 : vector<1x1024xf32> to vector<1x1024xi32>
    %add3A_96 = arith.addi %mul3A_93, %convert_element_type3A_95 : vector<1x1024xi32>
    %slice3A_97 = vector.extract_strided_slice %dot_general3A_87 {offsets = [3, 0], sizes = [1, 1024], strides = [1, 1]} : vector<8x1024xf32> to vector<1x1024xf32>
    %convert_element_type3A_98 = arith.fptosi %slice3A_97 : vector<1x1024xf32> to vector<1x1024xi32>
    %shift_left3A_99 = arith.constant 16 : i32
    %shift_left3A_100 = vector.broadcast %shift_left3A_99 : i32 to vector<1x1024xi32>
    %shift_left3A_101 = arith.shli %convert_element_type3A_98, %shift_left3A_100 : vector<1x1024xi32>
    %slice3A_102 = vector.extract_strided_slice %dot_general3A_87 {offsets = [4, 0], sizes = [1, 1024], strides = [1, 1]} : vector<8x1024xf32> to vector<1x1024xf32>
    %convert_element_type3A_103 = arith.fptosi %slice3A_102 : vector<1x1024xf32> to vector<1x1024xi32>
    %shift_left3A_104 = arith.constant 8 : i32
    %shift_left3A_105 = vector.broadcast %shift_left3A_104 : i32 to vector<1x1024xi32>
    %shift_left3A_106 = arith.shli %convert_element_type3A_103, %shift_left3A_105 : vector<1x1024xi32>
    %add3A_107 = arith.addi %shift_left3A_101, %shift_left3A_106 : vector<1x1024xi32>
    %slice3A_108 = vector.extract_strided_slice %dot_general3A_87 {offsets = [5, 0], sizes = [1, 1024], strides = [1, 1]} : vector<8x1024xf32> to vector<1x1024xf32>
    %convert_element_type3A_109 = arith.fptosi %slice3A_108 : vector<1x1024xf32> to vector<1x1024xi32>
    %add3A_110 = arith.addi %add3A_107, %convert_element_type3A_109 : vector<1x1024xi32>
    %mul3A_111 = arith.constant 2 : i32
    %mul3A_112 = vector.broadcast %mul3A_111 : i32 to vector<1x1024xi32>
    %mul3A_113 = arith.muli %mul3A_112, %add3A_110 : vector<1x1024xi32>
    %mul3A_114 = arith.muli %add3A_96, %add3A_96 : vector<1x1024xi32>
    %sub3A_115 = arith.subi %mul3A_113, %mul3A_114 : vector<1x1024xi32>
    %max3A_116 = arith.constant 0 : i32
    %max3A_117 = vector.broadcast %max3A_116 : i32 to vector<1x1024xi32>
    %max3A_118 = arith.maxsi %sub3A_115, %max3A_117 : vector<1x1024xi32>
    %convert_element_type3A_119 = arith.sitofp %max3A_118 : vector<1x1024xi32> to vector<1x1024xf32>
    %sqrt3A_120 = math.sqrt %convert_element_type3A_119 : vector<1x1024xf32>
    %convert_element_type3A_121 = arith.sitofp %add3A_96 : vector<1x1024xi32> to vector<1x1024xf32>
    %gt3A_122 = arith.constant 1.500000e+00 : f32
    %gt3A_123 = vector.broadcast %gt3A_122 : f32 to vector<1x1024xf32>
    %gt3A_124 = arith.cmpf ogt, %slice3A_88, %gt3A_123 : vector<1x1024xf32>
    %sub3A_125 = arith.subf %convert_element_type3A_121, %sqrt3A_120 : vector<1x1024xf32>
    %mul3A_126 = arith.constant 5.000000e-01 : f32
    %mul3A_127 = vector.broadcast %mul3A_126 : f32 to vector<1x1024xf32>
    %mul3A_128 = arith.mulf %mul3A_127, %sub3A_125 : vector<1x1024xf32>
    %select_n3A_129 = arith.select %gt3A_124, %mul3A_128, %convert_element_type3A_121 : vector<1x1024xi1>, vector<1x1024xf32>
    %add3A_130 = arith.addf %convert_element_type3A_121, %sqrt3A_120 : vector<1x1024xf32>
    %mul3A_131 = arith.constant 5.000000e-01 : f32
    %mul3A_132 = vector.broadcast %mul3A_131 : f32 to vector<1x1024xf32>
    %mul3A_133 = arith.mulf %mul3A_132, %add3A_130 : vector<1x1024xf32>
    %jit3A_134 = arith.constant 0xFF800000 : f32
    %broadcast_in_dim3A_135 = vector.broadcast %jit3A_134 : f32 to vector<1x1024xf32>
    %select_n3A_136 = arith.select %gt3A_124, %broadcast_in_dim3A_77, %broadcast_in_dim3A_135 : vector<1x1024xi1>, vector<1x1024xf32>
    %jit3A_137 = arith.constant 0xFF800000 : f32
    %broadcast_in_dim3A_138 = vector.broadcast %jit3A_137 : f32 to vector<5000x1024xf32>
    %select_n3A_139 = arith.select %eq3A_79, %broadcast_in_dim3A_138, %select_n3A_74 : vector<5000x1024xi1>, vector<5000x1024xf32>
    %reduce_max3A_140 = arith.constant dense<0xFF800000> : vector<1024xf32>
    %reduce_max3A_141 = vector.multi_reduction <maximumf>, %select_n3A_139, %reduce_max3A_140 [0] : vector<5000x1024xf32> to vector<1024xf32>
    %broadcast_in_dim3A_142 = vector.shape_cast %reduce_max3A_141 : vector<1024xf32> to vector<1x1024xf32>
    %eq3A_143 = vector.broadcast %broadcast_in_dim3A_142 : vector<1x1024xf32> to vector<5000x1024xf32>
    %eq3A_144 = arith.cmpf oeq, %select_n3A_139, %eq3A_143 : vector<5000x1024xf32>
    %jit3A_145 = arith.constant 1.000000e+00 : f32
    %jit3A_146 = arith.constant 0.000000e+00 : f32
    %broadcast_in_dim3A_147 = vector.broadcast %jit3A_145 : f32 to vector<5000x1024xf32>
    %broadcast_in_dim3A_148 = vector.broadcast %jit3A_146 : f32 to vector<5000x1024xf32>
    %select_n3A_149 = arith.select %eq3A_144, %broadcast_in_dim3A_147, %broadcast_in_dim3A_148 : vector<5000x1024xi1>, vector<5000x1024xf32>
    %convert_element_type3A_150 = arith.truncf %select_n3A_149 : vector<5000x1024xf32> to vector<5000x1024xbf16>
    %dot_general3A_151 = arith.constant dense<0.000000e+00> : vector<8x1024xf32>
    %dot_general3A_152 = tpu.matmul %get3A_17, %convert_element_type3A_150, %dot_general3A_151 {dimension_numbers = #tpu.dot_dimension_numbers<[1], [0], [0], [1], [0, 0, 1, 1], [], []>, transpose_lhs_hint = false} : vector<8x5000xbf16>, vector<5000x1024xbf16>, vector<8x1024xf32> -> vector<8x1024xf32>
    %slice3A_153 = vector.extract_strided_slice %dot_general3A_152 {offsets = [2, 0], sizes = [1, 1024], strides = [1, 1]} : vector<8x1024xf32> to vector<1x1024xf32>
    %slice3A_154 = vector.extract_strided_slice %dot_general3A_152 {offsets = [0, 0], sizes = [1, 1024], strides = [1, 1]} : vector<8x1024xf32> to vector<1x1024xf32>
    %convert_element_type3A_155 = arith.fptosi %slice3A_154 : vector<1x1024xf32> to vector<1x1024xi32>
    %mul3A_156 = arith.constant 64 : i32
    %mul3A_157 = vector.broadcast %mul3A_156 : i32 to vector<1x1024xi32>
    %mul3A_158 = arith.muli %convert_element_type3A_155, %mul3A_157 : vector<1x1024xi32>
    %slice3A_159 = vector.extract_strided_slice %dot_general3A_152 {offsets = [1, 0], sizes = [1, 1024], strides = [1, 1]} : vector<8x1024xf32> to vector<1x1024xf32>
    %convert_element_type3A_160 = arith.fptosi %slice3A_159 : vector<1x1024xf32> to vector<1x1024xi32>
    %add3A_161 = arith.addi %mul3A_158, %convert_element_type3A_160 : vector<1x1024xi32>
    %slice3A_162 = vector.extract_strided_slice %dot_general3A_152 {offsets = [3, 0], sizes = [1, 1024], strides = [1, 1]} : vector<8x1024xf32> to vector<1x1024xf32>
    %convert_element_type3A_163 = arith.fptosi %slice3A_162 : vector<1x1024xf32> to vector<1x1024xi32>
    %shift_left3A_164 = arith.constant 16 : i32
    %shift_left3A_165 = vector.broadcast %shift_left3A_164 : i32 to vector<1x1024xi32>
    %shift_left3A_166 = arith.shli %convert_element_type3A_163, %shift_left3A_165 : vector<1x1024xi32>
    %slice3A_167 = vector.extract_strided_slice %dot_general3A_152 {offsets = [4, 0], sizes = [1, 1024], strides = [1, 1]} : vector<8x1024xf32> to vector<1x1024xf32>
    %convert_element_type3A_168 = arith.fptosi %slice3A_167 : vector<1x1024xf32> to vector<1x1024xi32>
    %shift_left3A_169 = arith.constant 8 : i32
    %shift_left3A_170 = vector.broadcast %shift_left3A_169 : i32 to vector<1x1024xi32>
    %shift_left3A_171 = arith.shli %convert_element_type3A_168, %shift_left3A_170 : vector<1x1024xi32>
    %add3A_172 = arith.addi %shift_left3A_166, %shift_left3A_171 : vector<1x1024xi32>
    %slice3A_173 = vector.extract_strided_slice %dot_general3A_152 {offsets = [5, 0], sizes = [1, 1024], strides = [1, 1]} : vector<8x1024xf32> to vector<1x1024xf32>
    %convert_element_type3A_174 = arith.fptosi %slice3A_173 : vector<1x1024xf32> to vector<1x1024xi32>
    %add3A_175 = arith.addi %add3A_172, %convert_element_type3A_174 : vector<1x1024xi32>
    %mul3A_176 = arith.constant 2 : i32
    %mul3A_177 = vector.broadcast %mul3A_176 : i32 to vector<1x1024xi32>
    %mul3A_178 = arith.muli %mul3A_177, %add3A_175 : vector<1x1024xi32>
    %mul3A_179 = arith.muli %add3A_161, %add3A_161 : vector<1x1024xi32>
    %sub3A_180 = arith.subi %mul3A_178, %mul3A_179 : vector<1x1024xi32>
    %max3A_181 = arith.constant 0 : i32
    %max3A_182 = vector.broadcast %max3A_181 : i32 to vector<1x1024xi32>
    %max3A_183 = arith.maxsi %sub3A_180, %max3A_182 : vector<1x1024xi32>
    %convert_element_type3A_184 = arith.sitofp %max3A_183 : vector<1x1024xi32> to vector<1x1024xf32>
    %sqrt3A_185 = math.sqrt %convert_element_type3A_184 : vector<1x1024xf32>
    %convert_element_type3A_186 = arith.sitofp %add3A_161 : vector<1x1024xi32> to vector<1x1024xf32>
    %gt3A_187 = arith.constant 1.500000e+00 : f32
    %gt3A_188 = vector.broadcast %gt3A_187 : f32 to vector<1x1024xf32>
    %gt3A_189 = arith.cmpf ogt, %slice3A_153, %gt3A_188 : vector<1x1024xf32>
    %sub3A_190 = arith.subf %convert_element_type3A_186, %sqrt3A_185 : vector<1x1024xf32>
    %mul3A_191 = arith.constant 5.000000e-01 : f32
    %mul3A_192 = vector.broadcast %mul3A_191 : f32 to vector<1x1024xf32>
    %mul3A_193 = arith.mulf %mul3A_192, %sub3A_190 : vector<1x1024xf32>
    %select_n3A_194 = arith.select %gt3A_189, %mul3A_193, %convert_element_type3A_186 : vector<1x1024xi1>, vector<1x1024xf32>
    %add3A_195 = arith.addf %convert_element_type3A_186, %sqrt3A_185 : vector<1x1024xf32>
    %mul3A_196 = arith.constant 5.000000e-01 : f32
    %mul3A_197 = vector.broadcast %mul3A_196 : f32 to vector<1x1024xf32>
    %mul3A_198 = arith.mulf %mul3A_197, %add3A_195 : vector<1x1024xf32>
    %jit3A_199 = arith.constant 0xFF800000 : f32
    %broadcast_in_dim3A_200 = vector.broadcast %jit3A_199 : f32 to vector<1x1024xf32>
    %select_n3A_201 = arith.select %gt3A_189, %broadcast_in_dim3A_142, %broadcast_in_dim3A_200 : vector<1x1024xi1>, vector<1x1024xf32>
    %mul3A_202 = arith.constant 5000 : i32
    %mul3A_203 = arith.muli %arg0, %mul3A_202 : i32
    %convert_element_type3A_204 = arith.sitofp %mul3A_203 : i32 to f32
    %concatenate3A = tpu.concatenate %broadcast_in_dim3A_19, %select_n3A_71, %broadcast_in_dim3A_77, %select_n3A_136, %broadcast_in_dim3A_142, %select_n3A_201 in 0 : vector<1x1024xf32>, vector<1x1024xf32>, vector<1x1024xf32>, vector<1x1024xf32>, vector<1x1024xf32>, vector<1x1024xf32> -> vector<6x1024xf32>
    %concatenate3A_205 = tpu.concatenate %select_n3A_64, %mul3A_68, %select_n3A_129, %mul3A_133, %select_n3A_194, %mul3A_198 in 0 : vector<1x1024xf32>, vector<1x1024xf32>, vector<1x1024xf32>, vector<1x1024xf32>, vector<1x1024xf32>, vector<1x1024xf32> -> vector<6x1024xf32>
    %add3A_206 = vector.broadcast %convert_element_type3A_204 : f32 to vector<6x1024xf32>
    %add3A_207 = arith.addf %concatenate3A_205, %add3A_206 : vector<6x1024xf32>
    %get3A_208 = arith.constant 0 : index
    %get3A_209 = arith.constant 0 : index
    %get3A_210 = vector.load %arg4[%get3A_208, %get3A_209] : memref<8x1024xf32, #tpu.memory_space<vmem>>, vector<3x1024xf32>
    %concatenate3A_211 = tpu.concatenate %get3A_210, %concatenate3A in 0 : vector<3x1024xf32>, vector<6x1024xf32> -> vector<9x1024xf32>
    %get3A_212 = arith.constant 0 : index
    %get3A_213 = arith.constant 0 : index
    %get3A_214 = vector.load %arg5[%get3A_212, %get3A_213] : memref<8x1024xf32, #tpu.memory_space<vmem>>, vector<3x1024xf32>
    %concatenate3A_215 = tpu.concatenate %get3A_214, %add3A_207 in 0 : vector<3x1024xf32>, vector<6x1024xf32> -> vector<9x1024xf32>
    %reduce_max3A_216 = arith.constant dense<0xFF800000> : vector<1024xf32>
    %reduce_max3A_217 = vector.multi_reduction <maximumf>, %concatenate3A_211, %reduce_max3A_216 [0] : vector<9x1024xf32> to vector<1024xf32>
    %broadcast_in_dim3A_218 = vector.shape_cast %reduce_max3A_217 : vector<1024xf32> to vector<1x1024xf32>
    %eq3A_219 = vector.broadcast %broadcast_in_dim3A_218 : vector<1x1024xf32> to vector<9x1024xf32>
    %eq3A_220 = arith.cmpf oeq, %concatenate3A_211, %eq3A_219 : vector<9x1024xf32>
    %jit3A_221 = arith.constant 0x4B800000 : f32
    %broadcast_in_dim3A_222 = vector.broadcast %jit3A_221 : f32 to vector<9x1024xf32>
    %select_n3A_223 = arith.select %eq3A_220, %concatenate3A_215, %broadcast_in_dim3A_222 : vector<9x1024xi1>, vector<9x1024xf32>
    %reduce_min3A = arith.constant dense<0x7F800000> : vector<1024xf32>
    %reduce_min3A_224 = vector.multi_reduction <minimumf>, %select_n3A_223, %reduce_min3A [0] : vector<9x1024xf32> to vector<1024xf32>
    %broadcast_in_dim3A_225 = vector.shape_cast %reduce_min3A_224 : vector<1024xf32> to vector<1x1024xf32>
    %eq3A_226 = vector.broadcast %broadcast_in_dim3A_225 : vector<1x1024xf32> to vector<9x1024xf32>
    %eq3A_227 = arith.cmpf oeq, %concatenate3A_215, %eq3A_226 : vector<9x1024xf32>
    %jit3A_228 = arith.constant 0xFF800000 : f32
    %broadcast_in_dim3A_229 = vector.broadcast %jit3A_228 : f32 to vector<9x1024xf32>
    %select_n3A_230 = arith.select %eq3A_227, %broadcast_in_dim3A_229, %concatenate3A_211 : vector<9x1024xi1>, vector<9x1024xf32>
    %reduce_max3A_231 = arith.constant dense<0xFF800000> : vector<1024xf32>
    %reduce_max3A_232 = vector.multi_reduction <maximumf>, %select_n3A_230, %reduce_max3A_231 [0] : vector<9x1024xf32> to vector<1024xf32>
    %broadcast_in_dim3A_233 = vector.shape_cast %reduce_max3A_232 : vector<1024xf32> to vector<1x1024xf32>
    %eq3A_234 = vector.broadcast %broadcast_in_dim3A_233 : vector<1x1024xf32> to vector<9x1024xf32>
    %eq3A_235 = arith.cmpf oeq, %select_n3A_230, %eq3A_234 : vector<9x1024xf32>
    %jit3A_236 = arith.constant 0x4B800000 : f32
    %broadcast_in_dim3A_237 = vector.broadcast %jit3A_236 : f32 to vector<9x1024xf32>
    %select_n3A_238 = arith.select %eq3A_235, %concatenate3A_215, %broadcast_in_dim3A_237 : vector<9x1024xi1>, vector<9x1024xf32>
    %reduce_min3A_239 = arith.constant dense<0x7F800000> : vector<1024xf32>
    %reduce_min3A_240 = vector.multi_reduction <minimumf>, %select_n3A_238, %reduce_min3A_239 [0] : vector<9x1024xf32> to vector<1024xf32>
    %broadcast_in_dim3A_241 = vector.shape_cast %reduce_min3A_240 : vector<1024xf32> to vector<1x1024xf32>
    %eq3A_242 = vector.broadcast %broadcast_in_dim3A_241 : vector<1x1024xf32> to vector<9x1024xf32>
    %eq3A_243 = arith.cmpf oeq, %concatenate3A_215, %eq3A_242 : vector<9x1024xf32>
    %jit3A_244 = arith.constant 0xFF800000 : f32
    %broadcast_in_dim3A_245 = vector.broadcast %jit3A_244 : f32 to vector<9x1024xf32>
    %select_n3A_246 = arith.select %eq3A_243, %broadcast_in_dim3A_245, %select_n3A_230 : vector<9x1024xi1>, vector<9x1024xf32>
    %reduce_max3A_247 = arith.constant dense<0xFF800000> : vector<1024xf32>
    %reduce_max3A_248 = vector.multi_reduction <maximumf>, %select_n3A_246, %reduce_max3A_247 [0] : vector<9x1024xf32> to vector<1024xf32>
    %broadcast_in_dim3A_249 = vector.shape_cast %reduce_max3A_248 : vector<1024xf32> to vector<1x1024xf32>
    %eq3A_250 = vector.broadcast %broadcast_in_dim3A_249 : vector<1x1024xf32> to vector<9x1024xf32>
    %eq3A_251 = arith.cmpf oeq, %select_n3A_246, %eq3A_250 : vector<9x1024xf32>
    %jit3A_252 = arith.constant 0x4B800000 : f32
    %broadcast_in_dim3A_253 = vector.broadcast %jit3A_252 : f32 to vector<9x1024xf32>
    %select_n3A_254 = arith.select %eq3A_251, %concatenate3A_215, %broadcast_in_dim3A_253 : vector<9x1024xi1>, vector<9x1024xf32>
    %reduce_min3A_255 = arith.constant dense<0x7F800000> : vector<1024xf32>
    %reduce_min3A_256 = vector.multi_reduction <minimumf>, %select_n3A_254, %reduce_min3A_255 [0] : vector<9x1024xf32> to vector<1024xf32>
    %broadcast_in_dim3A_257 = vector.shape_cast %reduce_min3A_256 : vector<1024xf32> to vector<1x1024xf32>
    %concatenate3A_258 = tpu.concatenate %broadcast_in_dim3A_218, %broadcast_in_dim3A_233, %broadcast_in_dim3A_249 in 0 : vector<1x1024xf32>, vector<1x1024xf32>, vector<1x1024xf32> -> vector<3x1024xf32>
    %swap3A = arith.constant 0 : index
    %swap3A_259 = arith.constant 0 : index
    %swap3A_260 = vector.load %arg4[%swap3A, %swap3A_259] : memref<8x1024xf32, #tpu.memory_space<vmem>>, vector<3x1024xf32>
    tpu.vector_store %arg4[%swap3A, %swap3A_259], %concatenate3A_258 {strides = array<i32>} : memref<8x1024xf32, #tpu.memory_space<vmem>>, vector<3x1024xf32>,
    %concatenate3A_261 = tpu.concatenate %broadcast_in_dim3A_225, %broadcast_in_dim3A_241, %broadcast_in_dim3A_257 in 0 : vector<1x1024xf32>, vector<1x1024xf32>, vector<1x1024xf32> -> vector<3x1024xf32>
    %swap3A_262 = arith.constant 0 : index
    %swap3A_263 = arith.constant 0 : index
    %swap3A_264 = vector.load %arg5[%swap3A_262, %swap3A_263] : memref<8x1024xf32, #tpu.memory_space<vmem>>, vector<3x1024xf32>
    tpu.vector_store %arg5[%swap3A_262, %swap3A_263], %concatenate3A_261 {strides = array<i32>} : memref<8x1024xf32, #tpu.memory_space<vmem>>, vector<3x1024xf32>,
    %eq3A_265 = arith.constant 19 : i32
    %eq3A_266 = arith.cmpi eq, %arg0, %eq3A_265 : i32
    %convert_element_type3A_267 = arith.extui %eq3A_266 : i1 to i32
    %cond3A_268 = arith.constant 0 : i32
    %cond3A_269 = arith.cmpi ne, %convert_element_type3A_267, %cond3A_268 : i32
    scf.if %cond3A_269 {
      %convert_element_type3A_270 = arith.fptosi %concatenate3A_261 : vector<3x1024xf32> to vector<3x1024xi32>
      %swap3A_271 = arith.constant 0 : index
      %swap3A_272 = arith.constant 0 : index
      %swap3A_273 = vector.load %arg3[%swap3A_271, %swap3A_272] : memref<8x1024xi32, #tpu.memory_space<vmem>>, vector<3x1024xi32>
      tpu.vector_store %arg3[%swap3A_271, %swap3A_272], %convert_element_type3A_270 {strides = array<i32>} : memref<8x1024xi32, #tpu.memory_space<vmem>>, vector<3x1024xi32>,
      %broadcast_in_dim3A_274 = arith.constant 0 : i32
      %broadcast_in_dim3A_275 = vector.broadcast %broadcast_in_dim3A_274 : i32 to vector<5x1024xi32>
      %swap3A_276 = arith.constant 3 : index
      %swap3A_277 = arith.constant 0 : index
      %swap3A_278 = vector.load %arg3[%swap3A_276, %swap3A_277] : memref<8x1024xi32, #tpu.memory_space<vmem>>, vector<5x1024xi32>
      tpu.vector_store %arg3[%swap3A_276, %swap3A_277], %broadcast_in_dim3A_275 {strides = array<i32>} : memref<8x1024xi32, #tpu.memory_space<vmem>>, vector<5x1024xi32>,
    } else {
    }
    return
  }
  func.func @transform_0(%arg0: i32) -> (i32, i32) {
    %c0_i32 = arith.constant 0 : i32
    %c0_i32_0 = arith.constant 0 : i32
    %c0_i32_1 = arith.constant 0 : i32
    return %c0_i32, %c0_i32_0 : i32, i32
  }
  func.func @transform_1(%arg0: i32) -> (i32, i32) {
    %c0_i32 = arith.constant 0 : i32
    %c0_i32_0 = arith.constant 0 : i32
    return %arg0, %c0_i32 : i32, i32
  }
  func.func @transform_2(%arg0: i32) -> (i32, i32) {
    %c0_i32 = arith.constant 0 : i32
    %c0_i32_0 = arith.constant 0 : i32
    %c0_i32_1 = arith.constant 0 : i32
    return %c0_i32, %c0_i32_0 : i32, i32
  }
}

module attributes {stable_mosaic.version = 14 : i64} {
  func.func @_mutual_kernel(%arg0: memref<1024x64xf32, #tpu.memory_space<vmem>>, %arg1: memref<3072x128xf32, #tpu.memory_space<vmem>>, %arg2: memref<3072x1xi32, #tpu.memory_space<vmem>>, %arg3: memref<8x3072xf32, #tpu.memory_space<vmem>>) attributes {dimension_semantics = [], scalar_prefetch = 0 : i64, scratch_operands = 0 : i64, tpu.core_type = #tpu.core_type<tc>} {
    %get3A = arith.constant 0 : index
    %get3A_0 = arith.constant 0 : index
    %get3A_1 = vector.load %arg0[%get3A, %get3A_0] : memref<1024x64xf32, #tpu.memory_space<vmem>>, vector<1024x64xf32>
    %mul3A = arith.mulf %get3A_1, %get3A_1 : vector<1024x64xf32>
    %reduce_sum3A = arith.constant dense<0.000000e+00> : vector<1024xf32>
    %reduce_sum3A_2 = vector.multi_reduction <add>, %mul3A, %reduce_sum3A [1] : vector<1024x64xf32> to vector<1024xf32>
    %broadcast_in_dim3A = vector.shape_cast %reduce_sum3A_2 : vector<1024xf32> to vector<1024x1xf32>
    %sqrt3A = math.sqrt %broadcast_in_dim3A : vector<1024x1xf32>
    %add3A = arith.constant 9.99999996E-13 : f32
    %add3A_3 = vector.broadcast %add3A : f32 to vector<1024x1xf32>
    %add3A_4 = arith.addf %sqrt3A, %add3A_3 : vector<1024x1xf32>
    %div3A = arith.constant 1.000000e+00 : f32
    %div3A_5 = vector.broadcast %div3A : f32 to vector<1024x1xf32>
    %div3A_6 = arith.divf %div3A_5, %add3A_4 : vector<1024x1xf32>
    %mul3A_7 = vector.broadcast %div3A_6 : vector<1024x1xf32> to vector<1024x64xf32>
    %mul3A_8 = arith.mulf %get3A_1, %mul3A_7 : vector<1024x64xf32>
    %get3A_9 = arith.constant 0 : index
    %get3A_10 = arith.constant 0 : index
    %get3A_11 = vector.load %arg1[%get3A_9, %get3A_10] : memref<3072x128xf32, #tpu.memory_space<vmem>>, vector<3072x128xf32>
    %slice3A = vector.extract_strided_slice %get3A_11 {offsets = [0, 0], sizes = [3072, 64], strides = [1, 1]} : vector<3072x128xf32> to vector<3072x64xf32>
    %mul3A_12 = arith.mulf %slice3A, %slice3A : vector<3072x64xf32>
    %reduce_sum3A_13 = arith.constant dense<0.000000e+00> : vector<3072xf32>
    %reduce_sum3A_14 = vector.multi_reduction <add>, %mul3A_12, %reduce_sum3A_13 [1] : vector<3072x64xf32> to vector<3072xf32>
    %broadcast_in_dim3A_15 = vector.shape_cast %reduce_sum3A_14 : vector<3072xf32> to vector<3072x1xf32>
    %sqrt3A_16 = math.sqrt %broadcast_in_dim3A_15 : vector<3072x1xf32>
    %add3A_17 = arith.constant 9.99999996E-13 : f32
    %add3A_18 = vector.broadcast %add3A_17 : f32 to vector<3072x1xf32>
    %add3A_19 = arith.addf %sqrt3A_16, %add3A_18 : vector<3072x1xf32>
    %div3A_20 = arith.constant 1.000000e+00 : f32
    %div3A_21 = vector.broadcast %div3A_20 : f32 to vector<3072x1xf32>
    %div3A_22 = arith.divf %div3A_21, %add3A_19 : vector<3072x1xf32>
    %mul3A_23 = vector.broadcast %div3A_22 : vector<3072x1xf32> to vector<3072x64xf32>
    %mul3A_24 = arith.mulf %slice3A, %mul3A_23 : vector<3072x64xf32>
    %slice3A_25 = vector.extract_strided_slice %get3A_11 {offsets = [0, 64], sizes = [3072, 64], strides = [1, 1]} : vector<3072x128xf32> to vector<3072x64xf32>
    %mul3A_26 = arith.mulf %slice3A_25, %slice3A_25 : vector<3072x64xf32>
    %reduce_sum3A_27 = arith.constant dense<0.000000e+00> : vector<3072xf32>
    %reduce_sum3A_28 = vector.multi_reduction <add>, %mul3A_26, %reduce_sum3A_27 [1] : vector<3072x64xf32> to vector<3072xf32>
    %broadcast_in_dim3A_29 = vector.shape_cast %reduce_sum3A_28 : vector<3072xf32> to vector<3072x1xf32>
    %sqrt3A_30 = math.sqrt %broadcast_in_dim3A_29 : vector<3072x1xf32>
    %add3A_31 = arith.constant 9.99999996E-13 : f32
    %add3A_32 = vector.broadcast %add3A_31 : f32 to vector<3072x1xf32>
    %add3A_33 = arith.addf %sqrt3A_30, %add3A_32 : vector<3072x1xf32>
    %div3A_34 = arith.constant 1.000000e+00 : f32
    %div3A_35 = vector.broadcast %div3A_34 : f32 to vector<3072x1xf32>
    %div3A_36 = arith.divf %div3A_35, %add3A_33 : vector<3072x1xf32>
    %mul3A_37 = vector.broadcast %div3A_36 : vector<3072x1xf32> to vector<3072x64xf32>
    %mul3A_38 = arith.mulf %slice3A_25, %mul3A_37 : vector<3072x64xf32>
    %concatenate3A = tpu.concatenate %mul3A_24, %mul3A_38 in 1 : vector<3072x64xf32>, vector<3072x64xf32> -> vector<3072x128xf32>
    %get3A_39 = arith.constant 0 : index
    %get3A_40 = arith.constant 0 : index
    %get3A_41 = vector.load %arg2[%get3A_39, %get3A_40] : memref<3072x1xi32, #tpu.memory_space<vmem>>, vector<3072x1xi32>
    %and3A = arith.constant 1 : i32
    %and3A_42 = vector.broadcast %and3A : i32 to vector<3072x1xi32>
    %and3A_43 = arith.andi %get3A_41, %and3A_42 : vector<3072x1xi32>
    %eq3A = arith.constant 1 : i32
    %eq3A_44 = vector.broadcast %eq3A : i32 to vector<3072x1xi32>
    %eq3A_45 = arith.cmpi eq, %and3A_43, %eq3A_44 : vector<3072x1xi32>
    %iota3A = tpu.iota {dimensions = array<i32: 1>} : vector<3072x128xi32>
    %ge3A = arith.constant 64 : i32
    %ge3A_46 = vector.broadcast %ge3A : i32 to vector<3072x128xi32>
    %ge3A_47 = arith.cmpi sge, %iota3A, %ge3A_46 : vector<3072x128xi32>
    %eq3A_48 = vector.broadcast %eq3A_45 : vector<3072x1xi1> to vector<3072x128xi1>
    %eq3A_49 = vector.broadcast %eq3A_48 : vector<3072x128xi1> to vector<3072x128xi1>
    %eq3A_50 = arith.xori %ge3A_47, %eq3A_49 : vector<3072x128xi1>
    %eq3A_51 = arith.constant dense<true> : vector<3072x128xi1>
    %eq3A_52 = arith.xori %eq3A_50, %eq3A_51 : vector<3072x128xi1>
    %jit3A = arith.constant 0.000000e+00 : f32
    %broadcast_in_dim3A_53 = vector.broadcast %jit3A : f32 to vector<3072x128xf32>
    %select_n3A = arith.select %eq3A_52, %concatenate3A, %broadcast_in_dim3A_53 : vector<3072x128xi1>, vector<3072x128xf32>
    %concatenate3A_54 = tpu.concatenate %mul3A_8, %mul3A_8 in 1 : vector<1024x64xf32>, vector<1024x64xf32> -> vector<1024x128xf32>
    %dot_general3A = arith.constant dense<0.000000e+00> : vector<1024x3072xf32>
    %dot_general3A_55 = tpu.matmul %concatenate3A_54, %select_n3A, %dot_general3A {dimension_numbers = #tpu.dot_dimension_numbers<[1], [1], [0], [0], [0, 0, 1, 0], [], []>, transpose_lhs_hint = false} : vector<1024x128xf32>, vector<3072x128xf32>, vector<1024x3072xf32> -> vector<1024x3072xf32>
    %iota3A_56 = tpu.iota {dimensions = array<i32: 0>} : vector<1024x3072xi32>
    %iota3A_57 = tpu.iota {dimensions = array<i32: 1>} : vector<1024x3072xi32>
    %rem3A = arith.constant 1024 : i32
    %rem3A_58 = vector.broadcast %rem3A : i32 to vector<1024x3072xi32>
    %rem3A_59 = arith.remsi %iota3A_57, %rem3A_58 : vector<1024x3072xi32>
    %eq3A_60 = arith.cmpi eq, %iota3A_56, %rem3A_59 : vector<1024x3072xi32>
    %jit3A_61 = arith.constant 0xFF800000 : f32
    %broadcast_in_dim3A_62 = vector.broadcast %jit3A_61 : f32 to vector<1024x3072xf32>
    %select_n3A_63 = arith.select %eq3A_60, %dot_general3A_55, %broadcast_in_dim3A_62 : vector<1024x3072xi1>, vector<1024x3072xf32>
    %reduce_max3A = arith.constant dense<0xFF800000> : vector<3072xf32>
    %reduce_max3A_64 = vector.multi_reduction <maximumf>, %select_n3A_63, %reduce_max3A [0] : vector<1024x3072xf32> to vector<3072xf32>
    %broadcast_in_dim3A_65 = vector.shape_cast %reduce_max3A_64 : vector<3072xf32> to vector<1x3072xf32>
    %lt3A = arith.cmpi slt, %iota3A_56, %rem3A_59 : vector<1024x3072xi32>
    %gt3A = vector.broadcast %broadcast_in_dim3A_65 : vector<1x3072xf32> to vector<1024x3072xf32>
    %gt3A_66 = arith.cmpf ogt, %dot_general3A_55, %gt3A : vector<1024x3072xf32>
    %eq3A_67 = vector.broadcast %broadcast_in_dim3A_65 : vector<1x3072xf32> to vector<1024x3072xf32>
    %eq3A_68 = arith.cmpf oeq, %dot_general3A_55, %eq3A_67 : vector<1024x3072xf32>
    %and3A_69 = arith.andi %eq3A_68, %lt3A : vector<1024x3072xi1>
    %or3A = arith.ori %gt3A_66, %and3A_69 : vector<1024x3072xi1>
    %jit3A_70 = arith.constant 1.000000e+00 : f32
    %jit3A_71 = arith.constant 0.000000e+00 : f32
    %broadcast_in_dim3A_72 = vector.broadcast %jit3A_70 : f32 to vector<1024x3072xf32>
    %broadcast_in_dim3A_73 = vector.broadcast %jit3A_71 : f32 to vector<1024x3072xf32>
    %select_n3A_74 = arith.select %or3A, %broadcast_in_dim3A_72, %broadcast_in_dim3A_73 : vector<1024x3072xi1>, vector<1024x3072xf32>
    %reduce_sum3A_75 = arith.constant dense<0.000000e+00> : vector<3072xf32>
    %reduce_sum3A_76 = vector.multi_reduction <add>, %select_n3A_74, %reduce_sum3A_75 [0] : vector<1024x3072xf32> to vector<3072xf32>
    %broadcast_in_dim3A_77 = vector.shape_cast %reduce_sum3A_76 : vector<3072xf32> to vector<1x3072xf32>
    %lt3A_78 = arith.constant 3.000000e+00 : f32
    %lt3A_79 = vector.broadcast %lt3A_78 : f32 to vector<1x3072xf32>
    %lt3A_80 = arith.cmpf olt, %broadcast_in_dim3A_77, %lt3A_79 : vector<1x3072xf32>
    %gt3A_81 = arith.constant 0.000000e+00 : f32
    %gt3A_82 = vector.broadcast %gt3A_81 : f32 to vector<1x3072xf32>
    %gt3A_83 = arith.cmpf ogt, %broadcast_in_dim3A_65, %gt3A_82 : vector<1x3072xf32>
    %and3A_84 = arith.andi %lt3A_80, %gt3A_83 : vector<1x3072xi1>
    %jit3A_85 = arith.constant 0.000000e+00 : f32
    %broadcast_in_dim3A_86 = vector.broadcast %jit3A_85 : f32 to vector<1x3072xf32>
    %select_n3A_87 = arith.select %and3A_84, %broadcast_in_dim3A_65, %broadcast_in_dim3A_86 : vector<1x3072xi1>, vector<1x3072xf32>
    %broadcast_in_dim3A_88 = vector.shape_cast %select_n3A_87 : vector<1x3072xf32> to vector<1x3072xf32>
    %broadcast_in_dim3A_89 = vector.broadcast %broadcast_in_dim3A_88 : vector<1x3072xf32> to vector<8x3072xf32>
    %swap3A = arith.constant 0 : index
    %swap3A_90 = arith.constant 0 : index
    %swap3A_91 = vector.load %arg3[%swap3A, %swap3A_90] : memref<8x3072xf32, #tpu.memory_space<vmem>>, vector<8x3072xf32>
    tpu.vector_store %arg3[%swap3A, %swap3A_90], %broadcast_in_dim3A_89 {strides = array<i32>} : memref<8x3072xf32, #tpu.memory_space<vmem>>, vector<8x3072xf32>,
    return
  }
}

</mosaic_0001>

<sc_bundles>
// kernel: kernel.5.cloned.1.call-start
scs
__scs_entry_jumppad:
0x0: {  	(pc) =	sbr.rel $0x88, $3  }
0x1: {  	(tag) =	ssettag $0x0;
	lr =	simm.s32 $0x1  }
0x2: {  	[smem:$0x3F9F] =	sst lr;
	_ =	strace $0xD0000000  }
0x3: {  	_ = 	snop  }
0x4: {  	_ = 	snop  }
0x5: {  	_ = 	snop  }
0x6: {  	_ = 	snop  }
0x7: {  	_ = 	snop  }
__scs_overlays_trampoline_lowered:
0x8: {  	[smem:$0x3FAE] =	sst s0  }
0x9: {  	[smem:$0x3FAF] =	sst s1  }
0xa: {  	[smem:$0x3FB0] =	sst s2  }
0xb: {  	[smem:$0x3FB1] =	sst s3  }
0xc: {  	[smem:$0x3FB2] =	sst s4  }
0xd: {  	[smem:$0x3FB3] =	sst s5  }
0xe: {  	[smem:$0x3FB4] =	sst s6  }
0xf: {  	[smem:$0x3FB5] =	sst s7  }
0x10: {  	[smem:$0x3FB6] =	sst s8  }
0x11: {  	[smem:$0x3FB7] =	sst s9;
	s0 =	simm.s32 @!p0 $0x0  }
0x12: {  	s1 =	sld [smem:$0x3F9D];
	s0 =	simm.s32 @p0 $0x1  }
0x13: {  	[smem:$0x3FB8] =	sst s0;
	s0 =	simm.s32 @!p1 $0x0  }
0x14: {  	s2 =	sld [smem:$0x3F9C];
	s0 =	simm.s32 @p1 $0x1  }
0x15: {  	[smem:$0x3FB9] =	sst s0;
	s0 =	simm.s32 @!p2 $0x0  }
0x16: {  	s3 =	sld [smem:$0x3FDB];
	s0 =	simm.s32 @p2 $0x1  }
0x17: {  	s4 =	simm.s32 $0x1BF5;
	[smem:$0x3FBB] =	sst s0  }
0x18: {  	s0 =	sld [smem:$0x3F9E];
	_ =	swait.ge [sflag:s4], $0x0  }
0x19: {  	s7 =	sld [smem:$0x3F9F]  }
0x1a: {  	s8 =	sadd.s32 $0xFFFFE003, lr  }
0x1b: {  	s9 =	sadd.s32 $0xFFFFFEF7, lr;
	s5 =	simm.s32 $0xFFFFFFFF;
	p2 =	slt.u32 s8, $0xFFFFF086  }
0x1c: {  	p1 =	slt.u32 s9, $0xF7A;
	s5 =	simm.s32 @!p2 $0x0  }
0x1d: {  	s5 =	simm.s32 @p1 $0x1;
	p0 =	seq.s32 s7, s2  }
0x1e: {  	s7 =	smul.u32 @!p0 $0xF7A, s2;
	p2 =	seq.s32 @!p0 s5, $0x0  }
0x1f: {  	s9 =	smul.u32 $0xF7A, s1;
	s8 =	simm.s32 @!p0 $0x1BF5;
	p2 =	por !p2, p0  }
0x20: {  	[sflag:s8] =	ssyncset.s32 @!p0 $0xFFFFF086;
	s6 =	sadd.s32 @!p0 s3, s7;
	s7 =	simm.s32 @!p0 $0x108  }
0x21: {  	s3 =	sadd.s32 s3, s9;
	s6 =	sadd.s32 @!p0 $0x88, s6;
	s7 =	simm.s32 @p2 $0x1082  }
0x22: {  	[simem:s7], [sflag:s8] =	dma.local @!p0 [hbm:s6], $0xF7A  }
0x23: {  	s9 =	sor.u32 $0xD0000000, s2;
	s6 =	simm.s32 $0x108;
	_ =	swait.ge @!p0 [sflag:s8], $0x0  }
0x24: {  	s3 =	sadd.s32 $0x88, s3;
	s6 =	simm.s32 @!p1 $0x1082;
	[sflag:s4] =	ssyncset.s32 $0xFFFFF086  }
0x25: {  	[simem:s6], [sflag:s4] =	dma.local [hbm:s3], $0xF7A  }
0x26: {  	[smem:$0x3F9F] =	sst s1;
	(tag) =	ssettag s2;
	_ =	strace s9  }
0x27: {  	s1 =	sld [smem:$0x3FAF]  }
0x28: {  	s2 =	sld [smem:$0x3FB0]  }
0x29: {  	s4 =	sld [smem:$0x3FB2]  }
0x2a: {  	p0 =	seq.s32 s5, $0x0;
	s5 =	sld [smem:$0x3FB3]  }
0x2b: {  	s6 =	sld [smem:$0x3FB4]  }
0x2c: {  	s7 =	sld [smem:$0x3FB5]  }
0x2d: {  	s3 =	simm.s32 $0x108;
	s8 =	sld [smem:$0x3FB6]  }
0x2e: {  	s3 =	simm.s32 @!p0 $0x1082;
	s9 =	sld [smem:$0x3FB7]  }
0x2f: {  	lr =	sadd.s32 s0, s3;
	s0 =	sld [smem:$0x3FAE]  }
0x30: {  	s3 =	sld [smem:$0x3FB1]  }
0x31: {  	[smem:$0x3FBA] =	sst s10  }
0x32: {  	s10 =	sld [smem:$0x3FB8];
	_ =	sdelay $0x3  }
0x33: {  	p0 =	seq.s32 s10, $0x1;
	s10 =	sld [smem:$0x3FBA];
	_ =	sdelay $0x3  }
0x34: {  	[smem:$0x3FBA] =	sst s10  }
0x35: {  	s10 =	sld [smem:$0x3FB9];
	_ =	sdelay $0x3  }
0x36: {  	p1 =	seq.s32 s10, $0x1;
	s10 =	sld [smem:$0x3FBA];
	_ =	sdelay $0x3  }
0x37: {  	[smem:$0x3FBA] =	sst s10  }
0x38: {  	s10 =	sld [smem:$0x3FBB]  }
0x39: {  	_ = 	snop;
	(pc) =	sbr.ind lr, $3  }
0x3a: {  	_ = 	snop  }
0x3b: {  	_ = 	snop  }
0x3c: {  	p2 =	seq.s32 s10, $0x1;
	s10 =	sld [smem:$0x3FBA]  }
0x3d: {  	_ =	shalt  }
0x3e: {  	_ =	shalt  }
0x3f: {  	_ =	shalt  }
0x40: {  	_ =	shalt  }
0x41: {  	_ =	shalt  }
0x42: {  	_ =	shalt  }
0x43: {  	_ =	shalt  }
0x44: {  	_ =	shalt  }
0x45: {  	_ =	shalt  }
0x46: {  	_ =	shalt  }
0x47: {  	_ =	shalt  }
0x48: {  	_ =	shalt  }
0x49: {  	_ =	shalt  }
0x4a: {  	_ =	shalt  }
0x4b: {  	_ =	shalt  }
0x4c: {  	_ =	shalt  }
0x4d: {  	_ =	shalt  }
0x4e: {  	_ =	shalt  }
0x4f: {  	_ =	shalt  }
0x50: {  	_ =	shalt  }
0x51: {  	_ =	shalt  }
0x52: {  	_ =	shalt  }
0x53: {  	_ =	shalt  }
0x54: {  	_ =	shalt  }
0x55: {  	_ =	shalt  }
0x56: {  	_ =	shalt  }
0x57: {  	_ =	shalt  }
0x58: {  	_ =	shalt  }
0x59: {  	_ =	shalt  }
0x5a: {  	_ =	shalt  }
0x5b: {  	_ =	shalt  }
0x5c: {  	_ =	shalt  }
0x5d: {  	_ =	shalt  }
0x5e: {  	_ =	shalt  }
0x5f: {  	_ =	shalt  }
0x60: {  	_ =	shalt  }
0x61: {  	_ =	shalt  }
0x62: {  	_ =	shalt  }
0x63: {  	_ =	shalt  }
0x64: {  	_ =	shalt  }
0x65: {  	_ =	shalt  }
0x66: {  	_ =	shalt  }
0x67: {  	_ =	shalt  }
0x68: {  	_ =	shalt  }
0x69: {  	_ =	shalt  }
0x6a: {  	_ =	shalt  }
0x6b: {  	_ =	shalt  }
0x6c: {  	_ =	shalt  }
0x6d: {  	_ =	shalt  }
0x6e: {  	_ =	shalt  }
0x6f: {  	_ =	shalt  }
0x70: {  	_ =	shalt  }
0x71: {  	_ =	shalt  }
0x72: {  	_ =	shalt  }
0x73: {  	_ =	shalt  }
0x74: {  	_ =	shalt  }
0x75: {  	_ =	shalt  }
0x76: {  	_ =	shalt  }
0x77: {  	_ =	shalt  }
0x78: {  	_ =	shalt  }
0x79: {  	_ =	shalt  }
0x7a: {  	_ =	shalt  }
0x7b: {  	_ =	shalt  }
0x7c: {  	_ =	shalt  }
0x7d: {  	_ =	shalt  }
0x7e: {  	_ =	shalt  }
0x7f: {  	_ =	shalt  }
0x80: {  	_ =	shalt  }
0x81: {  	_ =	shalt  }
0x82: {  	_ =	shalt  }
0x83: {  	_ =	shalt  }
0x84: {  	_ =	shalt  }
0x85: {  	_ =	shalt  }
0x86: {  	_ =	shalt  }
0x87: {  	_ =	shalt  }
.Lfunc_end0:
.L_simem_size_0:
called_computation_lowered:
.L_overlay_start_0:
0x88: {  	s2 =	sld [smem:$0x3FD9]  }
0x89: {  	s3 =	sld [smem:$0x3FFE];
	_ =	sdelay $0x1  }
0x8a: {  	s1 =	srdreg.scid  }
0x8b: {  	s0 =	sand.u32 $0x1, s1  }
0x8c: {  	s17 =	sshll.u32 s0, $0xA;
	s2 =	sadd.s32 s3, s2  }
0x8d: {  	s2 =	sadd.s32 s2, s17  }
0x8e: {  	[smem:$0x3FC6] =	sst s2  }
0x8f: {  	_ = 	snop  }
0x90: {  	s2 =	sld [smem:$0x3FD0];
	(tm) =	ssettm $0x1  }
0x91: {  	s18 =	sld [smem:$0x3FFB];
	_ =	sdelay $0x3  }
0x92: {  	_ =	strace s18  }
0x93: {  	s3 =	sld [smem:$0x3FFC];
	_ =	sdelay $0x3  }
0x94: {  	_ =	strace s3  }
0x95: {  	s3 =	sld [smem:$0x3FFD];
	_ =	sdelay $0x3  }
0x96: {  	_ =	strace s3  }
0x97: {  	_ =	strace $0x8FFFFFFF  }
0x98: {  	s19 =	sld [smem:$0x3FDB];
	_ =	sdelay $0x1  }
0x99: {  	s4 =	simm.s32 $_scs_section_size  }
0x9a: {  	s5 =	simm.s32 $_size__tile_overlayer_lowered;
	s6 =	simm.s32 $_tile_overlayer_lowered  }
0x9b: {  	s22 =	simm.s32 $0x1BFF;
	s21 =	sshll.u32 s6, $0x1;
	s3 =	sadd.s32 s4, s19  }
0x9c: {  	s7 =	simm.s32 $0x0;
	s20 =	sshll.u32 s5, $0x1;
	s5 =	sadd.s32 s21, s3  }
0x9d: {  	[timem:s7], [sflag:s22] =	dma.local [hbm:s5], s20  }
0x9e: {  	_ =	swait.ge [sflag:s22], s20  }
0x9f: {  	s4 =	ssub.s32 $0x0, s20;
	[sflag:s22] =	ssyncset.done $0x0  }
0xa0: {  	[sflag:s22] =	ssyncadd.s32 s4;
	_ =	sdelay $0x1  }
0xa1: {  	s23 =	simm.s32 $0x1B8B  }
0xa2: {  	_ =	swait.ge [sflag:s23], $0x1  }
0xa3: {  	[sflag:s23] =	ssyncset.done $0x0  }
0xa4: {  	s25 =	simm.s32 $0x1B8E;
	s24 =	sld [smem:$0x3FFE];
	[sflag:s23] =	ssyncadd.s32 $0xFFFFFFFF  }
0xa5: {  	s26 =	simm.s32 $execute0_lowered;
	[smem:$0x3FD2] =	sst s25  }
0xa6: {  	s5 =	sshll.u32 s26, $0x1;
	_ =	strace $0x80000046;
	[dreg:$0x1] =	wrdreg $0xFFFFFFFF  }
0xa7: {  	s28 =	simm.s32 $_size_execute0_lowered;
	s3 =	sadd.s32 s3, s5;
	[dreg:$0x0] =	wrdreg $0x0  }
0xa8: {  	s5 =	sshll.u32 s28, $0x1;
	[dreg:$0x2] =	wrdreg s3  }
0xa9: {  	[dreg:$0x3] =	wrdreg s5  }
0xaa: {  	[dreg:$0x4] =	wrdreg $0xC0  }
0xab: {  	_ =	task [dreg:s7], $0x5FFFF  }
0xac: {  	[dreg:$0x1] =	wrdreg $0xFFFFFFFF  }
0xad: {  	[dreg:$0x0] =	wrdreg $0x60  }
0xae: {  	[dreg:$0x2] =	wrdreg s24  }
0xaf: {  	[dreg:$0x3] =	wrdreg s2  }
0xb0: {  	[dreg:$0x4] =	wrdreg $0x9  }
0xb1: {  	_ =	task.clear_ibuf [dreg:s7], $0x5FFFF;
	_ =	strace $0x90000046  }
0xb2: {  	s29 =	simm.s32 $0x9;
	_ =	strace $0x80000048  }
0xb3: {  	_ =	swait.ge [sflag:s29], $0x1  }
0xb4: {  	[sflag:s29] =	ssyncadd.s32 $0xFFFFFFFF  }
0xb5: {  	_ =	strace $0x90000048  }
0xb6: {  	_ =	sfence  }
0xb7: {  	s30 =	sld [smem:$0x0];
	_ =	sdelay $0x2  }
0xb8: {  	s31 =	sshll.u32 s1, $0xD;
	s1 =	sshrl.u32 s1, $0x2  }
0xb9: {  	s3 =	sand.u32 $0x4000, s31;
	s1 =	sadd.s32 s1, s30  }
0xba: {  	s0 =	sor.u32 s3, s0;
	s1 =	sshll.u32 s1, $0x11  }
0xbb: {  	s0 =	sor.u32 s1, s0  }
0xbc: {  	s0 =	sadd.s32 $0x8F2B, s0  }
0xbd: {  	[sflag:s0] =	ssyncadd.remote.s32 $0x1  }
0xbe: {  	_ =	sfence.sel $0xFFFF  }
0xbf: {  	[dreg:$0x0] =	wrdreg $0xFFFFFFFF;
	(pc) =	sbr.abs _section_cstart, $3  }
0xc0: {  	[dreg:$0x1] =	wrdreg $0xFFFFFFFF  }
0xc1: {  	_ =	task.clear_ibuf [dreg:s7], $0x2FFFF;
	_ =	strace $0x9FFFFFFF  }
0xc2: {  	(tm) =	ssettm $0x7FFFFFFF  }
0xc3: {  	_ =	shalt  }
tec
execute0_lowered:
.L_overlay_start_1:
0x0: {  	(tag) =	ssettag $0x1  }
0x1: {  	s1 =	srdreg.scid;
	s0 =	stileid.u32  }
0x2: {  	s9 =	rddreg [dreg:$0x0];
	s5 =	sand.u32 $0x1, s1;
	s31 =	sshll.u32 s0, $0x1  }
0x3: {  	s3 =	rddreg [dreg:$0x1];
	s6 =	sor.u32 s5, s31  }
0x4: {  	s2 =	simm.s32 $0x0;
	s1 =	rddreg [dreg:$0x2];
	s4 =	smul.u32 $0xC, s6  }
0x5: {  	[smem:$0x7FF] =	sst s2  }
0x6: {  	_ =	strace $0x80000047;
	s4 =	sadd.s32 s3, s4;
	s3 =	simm.s32 $0x2  }
0x7: {  	[tilespmem:s2], [sflag:$0x2] =	stream.linear.gather [hbm4b:s4+s2], $0x60, $0x38;
	[tilespmem:$0x3100] =	vst v63  }
0x8: {  	_ =	swait.ge [sflag:s3], $0x60  }
0x9: {  	[sflag:s3] =	ssyncset.done $0x0  }
0xa: {  	[sflag:s3] =	ssyncadd.s32 $0xFFFFFFA0  }
0xb: {  	v0 =	vld [tilespmem:$0x50]  }
0xc: {  	v1 =	vld [tilespmem:$0x40]  }
0xd: {  	v2 =	vld [tilespmem:$0x20]  }
0xe: {  	v3 =	vld [tilespmem:$0x30]  }
0xf: {  	s5 =	ssub.s32 $0x2, s5;
	v4 =	vld [tilespmem:$0x10]  }
0x10: {  	s7 =	sshrl.u32 s5, $0x1;
	v5 =	vld [tilespmem:$0x0];
	v0 =	vshrl.u32 v0, $0x1  }
0x11: {  	s7 =	ssub.s32 s5, s7;
	v1 =	vshrl.u32 v1, $0x1;
	[tilespmem:$0xD0] =	vst v0  }
0x12: {  	s11 =	smax.u32 s7, $0x1;
	v60 =	vshrl.u32 v2, $0x1;
	[tilespmem:$0xC0] =	vst v1  }
0x13: {  	s10 =	smul.u32 $0x600, s6;
	p0 =	sne.s32 s11, $0x1;
	v61 =	vshrl.u32 v3, $0x1;
	[tilespmem:$0xA0] =	vst v60  }
.Ltmp0:
0x14: {  	v62 =	vshrl.u32 v4, $0x1;
	[tilespmem:$0xB0] =	vst v61;
	(pc) =	sbr.rel @!p0 .LBB2_2-.Ltmp0, $4  }
0x15: {  	s8 =	simm.s32 $0x80;
	s6 =	simm.s32 $0x100;
	s5 =	sadd.s32 $0x18B200, s9;
	v63 =	vshrl.u32 v5, $0x1;
	[tilespmem:$0x90] =	vst v62  }
0x16: {  	s7 =	simm.s32 $0x60;
	s10 =	sadd.s32 s10, s9;
	s9 =	simm.s32 $0x1;
	[tilespmem:$0x80] =	vst v63  }
0x17: {  	[tilespmem:s6], [sflag:$0x1] =	stream.indirect.gather [hbm4b:s5+s7], $0x80, s8, s7, $0xb8;
	[tilespmem:$0x3100] =	vst v63  }
0x18: {  	s10 =	sadd.s32 $0x800, s10;
	s11 =	sadd.s32 $0xFFFFFFFF, s11;
	_ =	swait.ge [sflag:s9], $0x3000  }
.LBB2_1:
0x19: {  	p0 =	sne.s32 s11, $0x1;
	s11 =	sadd.s32 $0xFFFFFFFF, s11;
	[sflag:s9] =	ssyncset.done $0x0  }
0x1a: {  	[sflag:s9] =	ssyncadd.s32 $0xFFFFD000  }
0x1b: {  	[hbm4b:s10+s2] =	stream.linear.scatter [tilespmem:s6], [sflag:$0x2], $0x3000, $0x38;
	[tilespmem:$0x3100] =	vst v63  }
0x1c: {  	_ =	swait.ge [sflag:s3], $0x3000  }
0x1d: {  	[sflag:s3] =	ssyncset.done $0x0  }
0x1e: {  	[sflag:s3] =	ssyncadd.s32 $0xFFFFD000  }
0x1f: {  	[tilespmem:s2], [sflag:$0x2] =	stream.linear.gather [hbm4b:s4+s2], $0x60, $0x38;
	[tilespmem:$0x3100] =	vst v63  }
0x20: {  	_ =	swait.ge [sflag:s3], $0x60  }
0x21: {  	[sflag:s3] =	ssyncset.done $0x0  }
0x22: {  	[sflag:s3] =	ssyncadd.s32 $0xFFFFFFA0  }
0x23: {  	v0 =	vld [tilespmem:$0x50]  }
0x24: {  	v1 =	vld [tilespmem:$0x40]  }
0x25: {  	v2 =	vld [tilespmem:$0x20]  }
0x26: {  	v3 =	vld [tilespmem:$0x30]  }
0x27: {  	v4 =	vld [tilespmem:$0x10]  }
0x28: {  	v5 =	vld [tilespmem:$0x0];
	v0 =	vshrl.u32 v0, $0x1  }
0x29: {  	v1 =	vshrl.u32 v1, $0x1;
	[tilespmem:$0xD0] =	vst v0  }
0x2a: {  	v0 =	vshrl.u32 v2, $0x1;
	[tilespmem:$0xC0] =	vst v1  }
0x2b: {  	[tilespmem:$0xA0] =	vst v0;
	v0 =	vshrl.u32 v3, $0x1  }
.Ltmp1:
0x2c: {  	v1 =	vshrl.u32 v4, $0x1;
	[tilespmem:$0xB0] =	vst v0;
	(pc) =	sbr.rel @p0 .LBB2_1-.Ltmp1, $4  }
0x2d: {  	v0 =	vshrl.u32 v5, $0x1;
	[tilespmem:$0x90] =	vst v1  }
0x2e: {  	[tilespmem:$0x80] =	vst v0  }
0x2f: {  	[tilespmem:s6], [sflag:$0x1] =	stream.indirect.gather [hbm4b:s5+s7], $0x80, s8, s7, $0xb8;
	[tilespmem:$0x3100] =	vst v63  }
0x30: {  	_ =	swait.ge [sflag:s9], $0x3000  }
.LBB2_2:
0x31: {  	[sflag:s9] =	ssyncset.done $0x0  }
0x32: {  	[sflag:s9] =	ssyncadd.s32 $0xFFFFD000  }
0x33: {  	[hbm4b:s10+s2] =	stream.linear.scatter [tilespmem:s6], [sflag:$0x2], $0x3000, $0x38;
	[tilespmem:$0x3100] =	vst v63  }
0x34: {  	_ =	swait.ge [sflag:s3], $0x3000  }
0x35: {  	[sflag:s3] =	ssyncset.done $0x0  }
0x36: {  	[sflag:s3] =	ssyncadd.s32 $0xFFFFD000  }
0x37: {  	_ =	sfence.sel $0x180000  }
0x38: {  	[bflag:$0x0] =	sbarrier.arrive $0xFFFF  }
0x39: {  	p0 =	sne.s32 s0, $0x0;
	_ =	strace $0x90000047  }
0x3a: {  	s0 =	sadd.s32 @!p0 $0x100000, s1;
	[bflag:$0x2] =	sbarrier.arrive $0xFFFF  }
0x3b: {  	[sflag:s0] =	ssyncadd.tile.s32 @!p0 $0x1;
	_ =	shalt  }
.Lfunc_end2:
_tile_overlayer_lowered:
.L_overlay_start_2:
0x3c: {  	(tag) =	ssettag $0x2  }
0x3d: {  	s0 =	rddreg [dreg:$0x0];
	s2 =	stileid.u32  }
0x3e: {  	s1 =	rddreg [dreg:$0x1];
	p0 =	sne.s32 s2, $0x0  }
0x3f: {  	s3 =	rddreg [dreg:$0x2];
	[bflag:$0x3] =	sbarrier.arrive $0xFFFF;
	s2 =	simm.s32 @!p0 $0x1C02  }
0x40: {  	[timem:s3], [sflag:s2] =	dma.local @!p0 [hbm:s0], s1  }
0x41: {  	s0 =	simm.s32 @!p0 $0x2  }
0x42: {  	_ =	swait.ge @!p0 [sflag:s0], s1  }
0x43: {  	s1 =	ssub.s32 @!p0 $0x0, s1;
	[sflag:s0] =	ssyncset.done @!p0 $0x0  }
0x44: {  	[sflag:s0] =	ssyncadd.s32 @!p0 s1  }
0x45: {  	[bflag:$0x3] =	sbarrier.arrive $0xFFFF  }
0x46: {  	_ =	shalt  }

</sc_bundles>
